<compile_context>
chip_gen: v7x
topology: tpu7x:2x2x1
jax: 0.10.2.dev20260603
libtpu: 0.0.44.dev20260713+nightly
codegen_flags: <defaults>
</compile_context>

<pallas_src>
import jax
import jax.numpy as jnp
from jax import lax
from jax.experimental import pallas as pl
from jax.experimental.pallas import tpu as pltpu
from jax.experimental.pallas import tpu_sc as plsc

NC = 2
NS = 16
NW = NC * NS
L = 16

N = 10000
D = 128
E = 320000
P = 131072

EPW = E // NW
EC = 80
ENCH = EPW // EC
NPAD = 10240
NSTRIPE = NPAD // NS
RB = 2
HR = NPAD // D

PPW = P // NW
PC = 128
PNCH = PPW // PC


def _matmul_body(x_ref, w_ref, y_ref):
    y_ref[...] = jnp.dot(x_ref[...], w_ref[...],
                         preferred_element_type=jnp.float32)


def _head_body(s2_ref, degw_ref, bg_ref, wo_ref, bo_ref, u_ref, v_ref):
    s = (s2_ref[0] + s2_ref[1])[:N]
    deg = jnp.sum(degw_ref[...].reshape(NW, NPAD), axis=0)[:N]
    h = s / jnp.maximum(deg, 1.0)[:, None] + bg_ref[...]
    g = jax.nn.sigmoid(h)
    wuv = jnp.concatenate([wo_ref[:D], wo_ref[D:2 * D]], axis=1)
    uv = jnp.dot(g, wuv, preferred_element_type=jnp.float32)
    u_ref[...] = uv[:, 0] + bo_ref[0]
    v_ref[...] = uv[:, 1]


def _deg_body(dst_hbm, z2_hbm, degw_hbm, dstm_v, hist2):
    c = lax.axis_index("c")
    s = lax.axis_index("s")
    wid = c * NS + s

    pltpu.sync_copy(dst_hbm.at[wid], dstm_v)
    pltpu.sync_copy(z2_hbm.at[pl.ds(0, HR)], hist2)

    ones16 = jnp.ones((L,), jnp.float32)

    def _hist(j, _):
        for k in range(EC // L):
            d16 = dstm_v[j, pl.ds(k * L, L)]
            row16 = lax.shift_right_logical(d16, 7)
            col16 = lax.bitwise_and(d16, jnp.int32(127))
            plsc.addupdate_scatter(hist2, [row16, col16], ones16)
        return _
    lax.fori_loop(0, ENCH, _hist, None)

    pltpu.sync_copy(hist2, degw_hbm.at[wid])


def _edge_body(y_hbm, src_hbm, dst_hbm, z2_hbm, nb_hbm,
               s2_hbm,
               src_v, dstm_v, rows_v, nb_v, acc_sh, gsem):
    c = lax.axis_index("c")
    s = lax.axis_index("s")
    wid = c * NS + s

    pltpu.sync_copy(src_hbm.at[wid], src_v)
    pltpu.sync_copy(dst_hbm.at[wid], dstm_v)
    pltpu.sync_copy(nb_hbm, nb_v)

    for k in range(5):
        pltpu.sync_copy(z2_hbm, acc_sh.at[pl.ds(s * NSTRIPE + k * 128, 128), :])

    plsc.subcore_barrier()

    def _gfire(j, b):
        pltpu.async_copy(y_hbm.at[src_v.at[pl.ds(j * EC, EC)]],
                         rows_v.at[b], gsem)

    def _consume(j, b):
        pltpu.make_async_copy(y_hbm.at[src_v.at[pl.ds(j * EC, EC)]],
                              rows_v.at[b], gsem).wait()
        pltpu.sync_copy(rows_v.at[b], acc_sh.at[dstm_v.at[j]], add=True)

    for b in range(RB):
        _gfire(b, b)

    def _main(j, _):
        b = lax.rem(j, RB)
        _consume(j, b)
        _gfire(j + RB, b)
        return _
    nbound = jnp.max(nb_v[...])
    lax.fori_loop(0, nbound, _main, None)

    for j in range(ENCH - RB, ENCH):
        _consume(j, j % RB)

    plsc.subcore_barrier()

    pltpu.sync_copy(acc_sh.at[pl.ds(s * NSTRIPE, NSTRIPE), :],
                    s2_hbm.at[c, pl.ds(s * NSTRIPE, NSTRIPE), :])


def _pair_body(u_hbm, v_hbm, ti_hbm, disf_hbm, wd_hbm,
               out_hbm,
               u_v, v_v, o_v, d_v, flat_v, uvsum_v, dis_v, out_v, wd_v, sem):
    c = lax.axis_index("c")
    s = lax.axis_index("s")
    wid = c * NS + s
    base = wid * PPW

    pltpu.sync_copy(ti_hbm.at[0, pl.ds(base, PPW)], o_v)
    pltpu.sync_copy(ti_hbm.at[1, pl.ds(base, PPW)], d_v)

    def _flat(j, _):
        o16 = o_v[pl.ds(j * L, L)]
        d16 = d_v[pl.ds(j * L, L)]
        flat_v[pl.ds(j * L, L)] = o16 * N + d16
        return _
    lax.fori_loop(0, PPW // L, _flat, None)

    def _disfire(j, _):
        pltpu.async_copy(disf_hbm.at[flat_v.at[pl.ds(j * PC, PC)]],
                         dis_v.at[pl.ds(j * PC, PC)], sem)
        return _
    lax.fori_loop(0, PNCH, _disfire, None)

    pltpu.sync_copy(u_hbm, u_v)
    pltpu.sync_copy(v_hbm, v_v)
    pltpu.sync_copy(wd_hbm, wd_v)
    wd = wd_v[...]

    def _uvgather(j, _):
        o16 = o_v[pl.ds(j * L, L)]
        d16 = d_v[pl.ds(j * L, L)]
        uo = plsc.load_gather(u_v, [o16])
        vd = plsc.load_gather(v_v, [d16])
        uvsum_v[pl.ds(j * L, L)] = uo + vd
        return _
    lax.fori_loop(0, PPW // L, _uvgather, None)

    def _disdrain(j, _):
        pltpu.make_async_copy(disf_hbm.at[flat_v.at[pl.ds(j * PC, PC)]],
                              dis_v.at[pl.ds(j * PC, PC)], sem).wait()
        return _
    lax.fori_loop(0, PNCH, _disdrain, None)

    def _finish(j, _):
        t = uvsum_v[pl.ds(j * L, L)] + wd * dis_v[pl.ds(j * L, L)]
        e = jnp.exp(-2.0 * t)
        out_v[pl.ds(j * L, L)] = 2.0 / (1.0 + e) - 1.0
        return _
    lax.fori_loop(0, PPW // L, _finish, None)

    pltpu.sync_copy(out_v, out_hbm.at[pl.ds(base, PPW)])


@jax.jit
def kernel(x, edge_index, dis, train_idx, W_gnn, b_gnn, W_out, b_out):
    src = edge_index[0].astype(jnp.int32).reshape(NW, EPW)
    dstc = edge_index[1].astype(jnp.int32).reshape(NW, ENCH, EC)
    ti = train_idx.astype(jnp.int32)
    disf = dis.reshape(-1)
    z2 = jnp.zeros((128, D), jnp.float32)
    nb = jnp.full((L,), ENCH - RB, jnp.int32)
    wd_vec = jnp.broadcast_to(W_out[2 * D, 0], (L,))

    deg_k = pl.kernel(
        _deg_body,
        out_type=jax.ShapeDtypeStruct((NW, HR, D), jnp.float32),
        mesh=plsc.VectorSubcoreMesh(core_axis_name="c", subcore_axis_name="s"),
        compiler_params=pltpu.CompilerParams(needs_layout_passes=False),
        scratch_types=[
            pltpu.VMEM((ENCH, EC), jnp.int32),
            pltpu.VMEM((HR, D), jnp.float32),
        ],
    )
    degw = deg_k(dstc, z2)

    y = pl.pallas_call(
        _matmul_body,
        out_shape=jax.ShapeDtypeStruct((N, D), jnp.float32),
    )(x, W_gnn)

    edge_k = pl.kernel(
        _edge_body,
        out_type=jax.ShapeDtypeStruct((NC, NPAD, D), jnp.float32),
        mesh=plsc.VectorSubcoreMesh(core_axis_name="c", subcore_axis_name="s"),
        compiler_params=pltpu.CompilerParams(needs_layout_passes=False),
        scratch_types=[
            pltpu.VMEM((EPW,), jnp.int32),
            pltpu.VMEM((ENCH, EC), jnp.int32),
            pltpu.VMEM((RB, EC, D), jnp.float32),
            pltpu.VMEM((L,), jnp.int32),
            pltpu.VMEM_SHARED((NPAD, D), jnp.float32),
            pltpu.SemaphoreType.DMA,
        ],
    )
    s2 = edge_k(y, src, dstc, z2, nb)

    u, v = pl.pallas_call(
        _head_body,
        out_shape=(jax.ShapeDtypeStruct((N,), jnp.float32),
                   jax.ShapeDtypeStruct((N,), jnp.float32)),
    )(s2, degw, b_gnn, W_out, b_out)

    pair_k = pl.kernel(
        _pair_body,
        out_type=jax.ShapeDtypeStruct((P,), jnp.float32),
        mesh=plsc.VectorSubcoreMesh(core_axis_name="c", subcore_axis_name="s"),
        compiler_params=pltpu.CompilerParams(needs_layout_passes=False),
        scratch_types=[
            pltpu.VMEM((N,), jnp.float32),
            pltpu.VMEM((N,), jnp.float32),
            pltpu.VMEM((PPW,), jnp.int32),
            pltpu.VMEM((PPW,), jnp.int32),
            pltpu.VMEM((PPW,), jnp.int32),
            pltpu.VMEM((PPW,), jnp.float32),
            pltpu.VMEM((PPW,), jnp.float32),
            pltpu.VMEM((PPW,), jnp.float32),
            pltpu.VMEM((L,), jnp.float32),
            pltpu.SemaphoreType.DMA,
        ],
    )
    pre = pair_k(u, v, ti, disf, wd_vec)
    return pre.reshape(P, 1)

# --- scband reference (transcript-rebuilt; emitter-appended) ---
"""Pipeline reference for scband-one-gnn-for-onehour-61735859913578 (READ-ONLY COPY).

The authoritative reference and input builder live on the scoring server;
editing this copy changes nothing except your own understanding.
"""

import jax, jax.numpy as jnp
import numpy as np

N_NODES = 10000
D_FEAT = 128
EMB = 128
N_EDGES = 320000
N_PAIRS = 131072


def setup_inputs(seed: int = 0) -> dict:
    key = jax.random.key(seed)
    k1, k2, k3, k4, k5, k6, k7, k8 = jax.random.split(key, 8)
    x = jax.random.normal(k1, (N_NODES, D_FEAT), dtype=jnp.float32)
    edge_index = jax.random.randint(k2, (2, N_EDGES), 0, N_NODES, dtype=jnp.int64)
    dis = jax.random.uniform(k3, (N_NODES, N_NODES), dtype=jnp.float32)
    train_idx = jax.random.randint(k4, (2, N_PAIRS), 0, N_NODES, dtype=jnp.int64)
    # Learned parameters: GNN layer (GCN-style mean aggregation + linear) and output head
    W_gnn = jax.random.normal(k5, (D_FEAT, EMB), dtype=jnp.float32) * (1.0 / np.sqrt(D_FEAT))
    b_gnn = jnp.zeros((EMB,), dtype=jnp.float32)
    W_out = jax.random.normal(k6, (EMB * 2 + 1, 1), dtype=jnp.float32) * (1.0 / np.sqrt(EMB * 2 + 1))
    b_out = jnp.zeros((1,), dtype=jnp.float32)
    return {"x": x, "edge_index": edge_index, "dis": dis, "train_idx": train_idx,
            "W_gnn": W_gnn, "b_gnn": b_gnn, "W_out": W_out, "b_out": b_out}


def reference(x, edge_index, dis, train_idx, W_gnn, b_gnn, W_out, b_out):
    N = x.shape[0]
    src = edge_index[0]
    dst = edge_index[1]
    # GNN message passing: gather source features, mean-aggregate at destination
    msg = jnp.take(x, src, axis=0)
    agg = jax.ops.segment_sum(msg, dst, num_segments=N)
    deg = jax.ops.segment_sum(jnp.ones_like(dst, dtype=x.dtype), dst, num_segments=N)
    agg = agg / jnp.maximum(deg, 1.0)[:, None]
    h = agg @ W_gnn + b_gnn
    g_emb = jax.nn.sigmoid(h)
    # Gather origin/destination embeddings for the training pairs
    o_emb = jnp.take(g_emb, train_idx[0], axis=0)
    d_emb = jnp.take(g_emb, train_idx[1], axis=0)
    dis_emb = dis[train_idx[0], train_idx[1]].reshape(-1, 1)
    emb = jnp.concatenate((o_emb, d_emb, dis_emb), axis=1)
    pre = jnp.tanh(emb @ W_out + b_out)
    return pre

if __name__ == "__main__":
    import jax
    _d = setup_inputs()
    print(jax.jit(kernel)(*tuple(_d.values())))

</pallas_src>

<mosaic_0001>
#map = affine_map<(d0, d1) -> (0, 0, 0)>
#map1 = affine_map<(d0, d1) -> (0, 0)>
module attributes {stable_mosaic.version = 14 : i64} {
  func.func @_deg_body(%arg0: i32, %arg1: i32, %arg2: memref<32x125x80xi32, #tpu.memory_space<hbm>>, %arg3: memref<128x128xf32, #tpu.memory_space<hbm>>, %arg4: memref<32x80x128xf32, #tpu.memory_space<hbm>>, %arg5: memref<125x80xi32, #tpu.memory_space<vmem>>, %arg6: memref<80x128xf32, #tpu.memory_space<vmem>>) attributes {dimension_semantics = [#tpu.dimension_semantics<core_parallel>, #tpu.dimension_semantics<subcore_parallel>], iteration_bounds = array<i64: 2, 16>, scalar_prefetch = 0 : i64, scratch_operands = 2 : i64, tpu.core_type = #tpu.core_type<sc_vector_subcore>, window_params = [{transform_indices = #map}, {transform_indices = #map1}, {transform_indices = #map}]} {
    %mul3A = arith.constant 16 : i32
    %mul3A_0 = arith.muli %arg0, %mul3A : i32
    %add3A = arith.addi %mul3A_0, %arg1 : i32
    "tpu.region"() ({
      %run_scoped3A = tpu.sem_alloc : memref<!tpu.dma_semaphore, #tpu.memory_space<semaphore_mem>>
      %dma_start3A = arith.constant 0 : i32
      %dma_start3A_6 = arith.constant 0 : i32
      %dma_start3A_7 = tpu.memref_slice %arg2[%add3A, %dma_start3A, %dma_start3A_6] : memref<32x125x80xi32, #tpu.memory_space<hbm>> -> memref<1x125x80xi32, #tpu.memory_space<hbm>>
      %dma_start3A_8 = tpu.memref_squeeze %dma_start3A_7 : memref<1x125x80xi32, #tpu.memory_space<hbm>> -> memref<125x80xi32, #tpu.memory_space<hbm>>
      %dma_start3A_9 = arith.constant 0 : i32
      %dma_start3A_10 = arith.constant 0 : i32
      %dma_start3A_11 = tpu.memref_slice %arg2[%add3A, %dma_start3A_9, %dma_start3A_10] : memref<32x125x80xi32, #tpu.memory_space<hbm>> -> memref<1x125x80xi32, #tpu.memory_space<hbm>>
      %dma_start3A_12 = tpu.memref_squeeze %dma_start3A_11 : memref<1x125x80xi32, #tpu.memory_space<hbm>> -> memref<125x80xi32, #tpu.memory_space<hbm>>
      tpu.enqueue_dma source(%dma_start3A_12 : memref<125x80xi32, #tpu.memory_space<hbm>>) target(%arg5 : memref<125x80xi32, #tpu.memory_space<vmem>>) target_semaphore(%run_scoped3A : memref<!tpu.dma_semaphore, #tpu.memory_space<semaphore_mem>>)
      %dma_wait3A = arith.constant 0 : i32
      %dma_wait3A_13 = arith.constant 0 : i32
      %dma_wait3A_14 = tpu.memref_slice %arg2[%add3A, %dma_wait3A, %dma_wait3A_13] : memref<32x125x80xi32, #tpu.memory_space<hbm>> -> memref<1x125x80xi32, #tpu.memory_space<hbm>>
      %dma_wait3A_15 = tpu.memref_squeeze %dma_wait3A_14 : memref<1x125x80xi32, #tpu.memory_space<hbm>> -> memref<125x80xi32, #tpu.memory_space<hbm>>
      %dma_wait3A_16 = arith.constant 0 : i32
      %dma_wait3A_17 = arith.constant 0 : i32
      %dma_wait3A_18 = tpu.memref_slice %arg2[%add3A, %dma_wait3A_16, %dma_wait3A_17] : memref<32x125x80xi32, #tpu.memory_space<hbm>> -> memref<1x125x80xi32, #tpu.memory_space<hbm>>
      %dma_wait3A_19 = tpu.memref_squeeze %dma_wait3A_18 : memref<1x125x80xi32, #tpu.memory_space<hbm>> -> memref<125x80xi32, #tpu.memory_space<hbm>>
      tpu.wait_dma2 semaphore(%run_scoped3A : memref<!tpu.dma_semaphore, #tpu.memory_space<semaphore_mem>>) src(%dma_wait3A_19 : memref<125x80xi32, #tpu.memory_space<hbm>>) dst(%arg5 : memref<125x80xi32, #tpu.memory_space<vmem>>)
      tpu.yield
    }) : () -> ()
    "tpu.region"() ({
      %run_scoped3A = tpu.sem_alloc : memref<!tpu.dma_semaphore, #tpu.memory_space<semaphore_mem>>
      %dma_start3A = arith.constant 0 : i32
      %dma_start3A_6 = arith.constant 0 : i32
      %dma_start3A_7 = tpu.memref_slice %arg3[%dma_start3A, %dma_start3A_6] : memref<128x128xf32, #tpu.memory_space<hbm>> -> memref<80x128xf32, #tpu.memory_space<hbm>>
      %dma_start3A_8 = arith.constant 0 : i32
      %dma_start3A_9 = arith.constant 0 : i32
      %dma_start3A_10 = tpu.memref_slice %arg3[%dma_start3A_8, %dma_start3A_9] : memref<128x128xf32, #tpu.memory_space<hbm>> -> memref<80x128xf32, #tpu.memory_space<hbm>>
      tpu.enqueue_dma source(%dma_start3A_10 : memref<80x128xf32, #tpu.memory_space<hbm>>) target(%arg6 : memref<80x128xf32, #tpu.memory_space<vmem>>) target_semaphore(%run_scoped3A : memref<!tpu.dma_semaphore, #tpu.memory_space<semaphore_mem>>)
      %dma_wait3A = arith.constant 0 : i32
      %dma_wait3A_11 = arith.constant 0 : i32
      %dma_wait3A_12 = tpu.memref_slice %arg3[%dma_wait3A, %dma_wait3A_11] : memref<128x128xf32, #tpu.memory_space<hbm>> -> memref<80x128xf32, #tpu.memory_space<hbm>>
      %dma_wait3A_13 = arith.constant 0 : i32
      %dma_wait3A_14 = arith.constant 0 : i32
      %dma_wait3A_15 = tpu.memref_slice %arg3[%dma_wait3A_13, %dma_wait3A_14] : memref<128x128xf32, #tpu.memory_space<hbm>> -> memref<80x128xf32, #tpu.memory_space<hbm>>
      tpu.wait_dma2 semaphore(%run_scoped3A : memref<!tpu.dma_semaphore, #tpu.memory_space<semaphore_mem>>) src(%dma_wait3A_15 : memref<80x128xf32, #tpu.memory_space<hbm>>) dst(%arg6 : memref<80x128xf32, #tpu.memory_space<vmem>>)
      tpu.yield
    }) : () -> ()
    %broadcast_in_dim3A = arith.constant 1.000000e+00 : f32
    %broadcast_in_dim3A_1 = vector.broadcast %broadcast_in_dim3A : f32 to vector<16xf32>
    %scan3A = arith.constant 0 : i32
    %scan3A_2 = arith.constant 125 : i32
    %scan3A_3 = arith.addi %scan3A, %scan3A_2 : i32
    %scan3A_4 = arith.constant 1 : i32
    scf.for %scan3A_6 = %scan3A to %scan3A_3 step %scan3A_4  : i32 {
      %get3A = arith.index_cast %scan3A_6 : i32 to index
      %get3A_7 = arith.constant 0 : index
      %get3A_8 = tpu.vector_load %arg5[%get3A, %get3A_7] {strides = array<i32>} : memref<125x80xi32, #tpu.memory_space<vmem>>, vector<16xi32>,
      %shift_right_logical3A = arith.constant 7 : i32
      %shift_right_logical3A_9 = vector.broadcast %shift_right_logical3A : i32 to vector<16xi32>
      %shift_right_logical3A_10 = arith.shrui %get3A_8, %shift_right_logical3A_9 : vector<16xi32>
      %and3A = arith.constant 127 : i32
      %and3A_11 = vector.broadcast %and3A : i32 to vector<16xi32>
      %and3A_12 = arith.andi %get3A_8, %and3A_11 : vector<16xi32>
      tpu.vector_store_idx %arg6[%shift_right_logical3A_10, %and3A_12], %broadcast_in_dim3A_1 {add = true} : memref<80x128xf32, #tpu.memory_space<vmem>>[vector<16xi32>, vector<16xi32>], vector<16xf32>,
      %get3A_13 = arith.index_cast %scan3A_6 : i32 to index
      %get3A_14 = arith.constant 16 : index
      %get3A_15 = tpu.vector_load %arg5[%get3A_13, %get3A_14] {strides = array<i32>} : memref<125x80xi32, #tpu.memory_space<vmem>>, vector<16xi32>,
      %shift_right_logical3A_16 = arith.constant 7 : i32
      %shift_right_logical3A_17 = vector.broadcast %shift_right_logical3A_16 : i32 to vector<16xi32>
      %shift_right_logical3A_18 = arith.shrui %get3A_15, %shift_right_logical3A_17 : vector<16xi32>
      %and3A_19 = arith.constant 127 : i32
      %and3A_20 = vector.broadcast %and3A_19 : i32 to vector<16xi32>
      %and3A_21 = arith.andi %get3A_15, %and3A_20 : vector<16xi32>
      tpu.vector_store_idx %arg6[%shift_right_logical3A_18, %and3A_21], %broadcast_in_dim3A_1 {add = true} : memref<80x128xf32, #tpu.memory_space<vmem>>[vector<16xi32>, vector<16xi32>], vector<16xf32>,
      %get3A_22 = arith.index_cast %scan3A_6 : i32 to index
      %get3A_23 = arith.constant 32 : index
      %get3A_24 = tpu.vector_load %arg5[%get3A_22, %get3A_23] {strides = array<i32>} : memref<125x80xi32, #tpu.memory_space<vmem>>, vector<16xi32>,
      %shift_right_logical3A_25 = arith.constant 7 : i32
      %shift_right_logical3A_26 = vector.broadcast %shift_right_logical3A_25 : i32 to vector<16xi32>
      %shift_right_logical3A_27 = arith.shrui %get3A_24, %shift_right_logical3A_26 : vector<16xi32>
      %and3A_28 = arith.constant 127 : i32
      %and3A_29 = vector.broadcast %and3A_28 : i32 to vector<16xi32>
      %and3A_30 = arith.andi %get3A_24, %and3A_29 : vector<16xi32>
      tpu.vector_store_idx %arg6[%shift_right_logical3A_27, %and3A_30], %broadcast_in_dim3A_1 {add = true} : memref<80x128xf32, #tpu.memory_space<vmem>>[vector<16xi32>, vector<16xi32>], vector<16xf32>,
      %get3A_31 = arith.index_cast %scan3A_6 : i32 to index
      %get3A_32 = arith.constant 48 : index
      %get3A_33 = tpu.vector_load %arg5[%get3A_31, %get3A_32] {strides = array<i32>} : memref<125x80xi32, #tpu.memory_space<vmem>>, vector<16xi32>,
      %shift_right_logical3A_34 = arith.constant 7 : i32
      %shift_right_logical3A_35 = vector.broadcast %shift_right_logical3A_34 : i32 to vector<16xi32>
      %shift_right_logical3A_36 = arith.shrui %get3A_33, %shift_right_logical3A_35 : vector<16xi32>
      %and3A_37 = arith.constant 127 : i32
      %and3A_38 = vector.broadcast %and3A_37 : i32 to vector<16xi32>
      %and3A_39 = arith.andi %get3A_33, %and3A_38 : vector<16xi32>
      tpu.vector_store_idx %arg6[%shift_right_logical3A_36, %and3A_39], %broadcast_in_dim3A_1 {add = true} : memref<80x128xf32, #tpu.memory_space<vmem>>[vector<16xi32>, vector<16xi32>], vector<16xf32>,
      %get3A_40 = arith.index_cast %scan3A_6 : i32 to index
      %get3A_41 = arith.constant 64 : index
      %get3A_42 = tpu.vector_load %arg5[%get3A_40, %get3A_41] {strides = array<i32>} : memref<125x80xi32, #tpu.memory_space<vmem>>, vector<16xi32>,
      %shift_right_logical3A_43 = arith.constant 7 : i32
      %shift_right_logical3A_44 = vector.broadcast %shift_right_logical3A_43 : i32 to vector<16xi32>
      %shift_right_logical3A_45 = arith.shrui %get3A_42, %shift_right_logical3A_44 : vector<16xi32>
      %and3A_46 = arith.constant 127 : i32
      %and3A_47 = vector.broadcast %and3A_46 : i32 to vector<16xi32>
      %and3A_48 = arith.andi %get3A_42, %and3A_47 : vector<16xi32>
      tpu.vector_store_idx %arg6[%shift_right_logical3A_45, %and3A_48], %broadcast_in_dim3A_1 {add = true} : memref<80x128xf32, #tpu.memory_space<vmem>>[vector<16xi32>, vector<16xi32>], vector<16xf32>,
    }
    %scan3A_5 = arith.constant 125 : i32
    "tpu.region"() ({
      %run_scoped3A = tpu.sem_alloc : memref<!tpu.dma_semaphore, #tpu.memory_space<semaphore_mem>>
      %dma_start3A = arith.constant 0 : i32
      %dma_start3A_6 = arith.constant 0 : i32
      %dma_start3A_7 = tpu.memref_slice %arg4[%add3A, %dma_start3A, %dma_start3A_6] : memref<32x80x128xf32, #tpu.memory_space<hbm>> -> memref<1x80x128xf32, #tpu.memory_space<hbm>>
      %dma_start3A_8 = tpu.memref_squeeze %dma_start3A_7 : memref<1x80x128xf32, #tpu.memory_space<hbm>> -> memref<80x128xf32, #tpu.memory_space<hbm>>
      %dma_start3A_9 = arith.constant 0 : i32
      %dma_start3A_10 = arith.constant 0 : i32
      %dma_start3A_11 = tpu.memref_slice %arg4[%add3A, %dma_start3A_9, %dma_start3A_10] : memref<32x80x128xf32, #tpu.memory_space<hbm>> -> memref<1x80x128xf32, #tpu.memory_space<hbm>>
      %dma_start3A_12 = tpu.memref_squeeze %dma_start3A_11 : memref<1x80x128xf32, #tpu.memory_space<hbm>> -> memref<80x128xf32, #tpu.memory_space<hbm>>
      tpu.enqueue_dma source(%arg6 : memref<80x128xf32, #tpu.memory_space<vmem>>) target(%dma_start3A_12 : memref<80x128xf32, #tpu.memory_space<hbm>>) target_semaphore(%run_scoped3A : memref<!tpu.dma_semaphore, #tpu.memory_space<semaphore_mem>>)
      %dma_wait3A = arith.constant 0 : i32
      %dma_wait3A_13 = arith.constant 0 : i32
      %dma_wait3A_14 = tpu.memref_slice %arg4[%add3A, %dma_wait3A, %dma_wait3A_13] : memref<32x80x128xf32, #tpu.memory_space<hbm>> -> memref<1x80x128xf32, #tpu.memory_space<hbm>>
      %dma_wait3A_15 = tpu.memref_squeeze %dma_wait3A_14 : memref<1x80x128xf32, #tpu.memory_space<hbm>> -> memref<80x128xf32, #tpu.memory_space<hbm>>
      %dma_wait3A_16 = arith.constant 0 : i32
      %dma_wait3A_17 = arith.constant 0 : i32
      %dma_wait3A_18 = tpu.memref_slice %arg4[%add3A, %dma_wait3A_16, %dma_wait3A_17] : memref<32x80x128xf32, #tpu.memory_space<hbm>> -> memref<1x80x128xf32, #tpu.memory_space<hbm>>
      %dma_wait3A_19 = tpu.memref_squeeze %dma_wait3A_18 : memref<1x80x128xf32, #tpu.memory_space<hbm>> -> memref<80x128xf32, #tpu.memory_space<hbm>>
      tpu.wait_dma2 semaphore(%run_scoped3A : memref<!tpu.dma_semaphore, #tpu.memory_space<semaphore_mem>>) src(%arg6 : memref<80x128xf32, #tpu.memory_space<vmem>>) dst(%dma_wait3A_19 : memref<80x128xf32, #tpu.memory_space<hbm>>)
      tpu.yield
    }) : () -> ()
    return
  }
}

#map = affine_map<(d0, d1) -> (0)>
#map1 = affine_map<(d0, d1) -> (0, 0)>
module attributes {stable_mosaic.version = 14 : i64} {
  func.func @_pair_body(%arg0: i32, %arg1: i32, %arg2: memref<10000xf32, #tpu.memory_space<hbm>>, %arg3: memref<10000xf32, #tpu.memory_space<hbm>>, %arg4: memref<2x131072xi32, #tpu.memory_space<hbm>>, %arg5: memref<100000000xf32, #tpu.memory_space<hbm>>, %arg6: memref<16xf32, #tpu.memory_space<hbm>>, %arg7: memref<131072xf32, #tpu.memory_space<hbm>>, %arg8: memref<10000xf32, #tpu.memory_space<vmem>>, %arg9: memref<10000xf32, #tpu.memory_space<vmem>>, %arg10: memref<4096xi32, #tpu.memory_space<vmem>>, %arg11: memref<4096xi32, #tpu.memory_space<vmem>>, %arg12: memref<4096xi32, #tpu.memory_space<vmem>>, %arg13: memref<4096xf32, #tpu.memory_space<vmem>>, %arg14: memref<4096xf32, #tpu.memory_space<vmem>>, %arg15: memref<4096xf32, #tpu.memory_space<vmem>>, %arg16: memref<16xf32, #tpu.memory_space<vmem>>, %arg17: memref<!tpu.dma_semaphore, #tpu.memory_space<semaphore_mem>>) attributes {dimension_semantics = [#tpu.dimension_semantics<core_parallel>, #tpu.dimension_semantics<subcore_parallel>], iteration_bounds = array<i64: 2, 16>, scalar_prefetch = 0 : i64, scratch_operands = 10 : i64, tpu.core_type = #tpu.core_type<sc_vector_subcore>, window_params = [{transform_indices = #map}, {transform_indices = #map}, {transform_indices = #map1}, {transform_indices = #map}, {transform_indices = #map}, {transform_indices = #map}]} {
    %mul3A = arith.constant 16 : i32
    %mul3A_0 = arith.muli %arg0, %mul3A : i32
    %add3A = arith.addi %mul3A_0, %arg1 : i32
    %mul3A_1 = arith.constant 4096 : i32
    %mul3A_2 = arith.muli %add3A, %mul3A_1 : i32
    %run_scoped3A = arith.constant 0 : i32
    "tpu.region"() ({
      %run_scoped3A_29 = tpu.sem_alloc : memref<!tpu.dma_semaphore, #tpu.memory_space<semaphore_mem>>
      %dma_start3A = tpu.memref_slice %arg4[%run_scoped3A, %mul3A_2] : memref<2x131072xi32, #tpu.memory_space<hbm>> -> memref<1x4096xi32, #tpu.memory_space<hbm>>
      %dma_start3A_30 = tpu.memref_squeeze %dma_start3A : memref<1x4096xi32, #tpu.memory_space<hbm>> -> memref<4096xi32, #tpu.memory_space<hbm>>
      %dma_start3A_31 = tpu.memref_slice %arg4[%run_scoped3A, %mul3A_2] : memref<2x131072xi32, #tpu.memory_space<hbm>> -> memref<1x4096xi32, #tpu.memory_space<hbm>>
      %dma_start3A_32 = tpu.memref_squeeze %dma_start3A_31 : memref<1x4096xi32, #tpu.memory_space<hbm>> -> memref<4096xi32, #tpu.memory_space<hbm>>
      tpu.enqueue_dma source(%dma_start3A_32 : memref<4096xi32, #tpu.memory_space<hbm>>) target(%arg10 : memref<4096xi32, #tpu.memory_space<vmem>>) target_semaphore(%run_scoped3A_29 : memref<!tpu.dma_semaphore, #tpu.memory_space<semaphore_mem>>)
      %dma_wait3A = tpu.memref_slice %arg4[%run_scoped3A, %mul3A_2] : memref<2x131072xi32, #tpu.memory_space<hbm>> -> memref<1x4096xi32, #tpu.memory_space<hbm>>
      %dma_wait3A_33 = tpu.memref_squeeze %dma_wait3A : memref<1x4096xi32, #tpu.memory_space<hbm>> -> memref<4096xi32, #tpu.memory_space<hbm>>
      %dma_wait3A_34 = tpu.memref_slice %arg4[%run_scoped3A, %mul3A_2] : memref<2x131072xi32, #tpu.memory_space<hbm>> -> memref<1x4096xi32, #tpu.memory_space<hbm>>
      %dma_wait3A_35 = tpu.memref_squeeze %dma_wait3A_34 : memref<1x4096xi32, #tpu.memory_space<hbm>> -> memref<4096xi32, #tpu.memory_space<hbm>>
      tpu.wait_dma2 semaphore(%run_scoped3A_29 : memref<!tpu.dma_semaphore, #tpu.memory_space<semaphore_mem>>) src(%dma_wait3A_35 : memref<4096xi32, #tpu.memory_space<hbm>>) dst(%arg10 : memref<4096xi32, #tpu.memory_space<vmem>>)
      tpu.yield
    }) : () -> ()
    %run_scoped3A_3 = arith.constant 1 : i32
    "tpu.region"() ({
      %run_scoped3A_29 = tpu.sem_alloc : memref<!tpu.dma_semaphore, #tpu.memory_space<semaphore_mem>>
      %dma_start3A = tpu.memref_slice %arg4[%run_scoped3A_3, %mul3A_2] : memref<2x131072xi32, #tpu.memory_space<hbm>> -> memref<1x4096xi32, #tpu.memory_space<hbm>>
      %dma_start3A_30 = tpu.memref_squeeze %dma_start3A : memref<1x4096xi32, #tpu.memory_space<hbm>> -> memref<4096xi32, #tpu.memory_space<hbm>>
      %dma_start3A_31 = tpu.memref_slice %arg4[%run_scoped3A_3, %mul3A_2] : memref<2x131072xi32, #tpu.memory_space<hbm>> -> memref<1x4096xi32, #tpu.memory_space<hbm>>
      %dma_start3A_32 = tpu.memref_squeeze %dma_start3A_31 : memref<1x4096xi32, #tpu.memory_space<hbm>> -> memref<4096xi32, #tpu.memory_space<hbm>>
      tpu.enqueue_dma source(%dma_start3A_32 : memref<4096xi32, #tpu.memory_space<hbm>>) target(%arg11 : memref<4096xi32, #tpu.memory_space<vmem>>) target_semaphore(%run_scoped3A_29 : memref<!tpu.dma_semaphore, #tpu.memory_space<semaphore_mem>>)
      %dma_wait3A = tpu.memref_slice %arg4[%run_scoped3A_3, %mul3A_2] : memref<2x131072xi32, #tpu.memory_space<hbm>> -> memref<1x4096xi32, #tpu.memory_space<hbm>>
      %dma_wait3A_33 = tpu.memref_squeeze %dma_wait3A : memref<1x4096xi32, #tpu.memory_space<hbm>> -> memref<4096xi32, #tpu.memory_space<hbm>>
      %dma_wait3A_34 = tpu.memref_slice %arg4[%run_scoped3A_3, %mul3A_2] : memref<2x131072xi32, #tpu.memory_space<hbm>> -> memref<1x4096xi32, #tpu.memory_space<hbm>>
      %dma_wait3A_35 = tpu.memref_squeeze %dma_wait3A_34 : memref<1x4096xi32, #tpu.memory_space<hbm>> -> memref<4096xi32, #tpu.memory_space<hbm>>
      tpu.wait_dma2 semaphore(%run_scoped3A_29 : memref<!tpu.dma_semaphore, #tpu.memory_space<semaphore_mem>>) src(%dma_wait3A_35 : memref<4096xi32, #tpu.memory_space<hbm>>) dst(%arg11 : memref<4096xi32, #tpu.memory_space<vmem>>)
      tpu.yield
    }) : () -> ()
    %scan3A = arith.constant 0 : i32
    %scan3A_4 = arith.constant 256 : i32
    %scan3A_5 = arith.addi %scan3A, %scan3A_4 : i32
    %scan3A_6 = arith.constant 1 : i32
    scf.for %scan3A_29 = %scan3A to %scan3A_5 step %scan3A_6  : i32 {
      %mul3A_30 = arith.constant 16 : i32
      %mul3A_31 = arith.muli %scan3A_29, %mul3A_30 : i32
      %get3A_32 = arith.index_cast %mul3A_31 : i32 to index
      %get3A_33 = tpu.vector_load %arg10[%get3A_32] {strides = array<i32>} : memref<4096xi32, #tpu.memory_space<vmem>>, vector<16xi32>,
      %mul3A_34 = arith.constant 16 : i32
      %mul3A_35 = arith.muli %scan3A_29, %mul3A_34 : i32
      %get3A_36 = arith.index_cast %mul3A_35 : i32 to index
      %get3A_37 = tpu.vector_load %arg11[%get3A_36] {strides = array<i32>} : memref<4096xi32, #tpu.memory_space<vmem>>, vector<16xi32>,
      %mul3A_38 = arith.constant 10000 : i32
      %mul3A_39 = vector.broadcast %mul3A_38 : i32 to vector<16xi32>
      %mul3A_40 = arith.muli %get3A_33, %mul3A_39 : vector<16xi32>
      %add3A_41 = arith.addi %mul3A_40, %get3A_37 : vector<16xi32>
      %mul3A_42 = arith.constant 16 : i32
      %mul3A_43 = arith.muli %scan3A_29, %mul3A_42 : i32
      %swap3A = arith.index_cast %mul3A_43 : i32 to index
      %swap3A_44 = tpu.vector_load %arg12[%swap3A] {strides = array<i32>} : memref<4096xi32, #tpu.memory_space<vmem>>, vector<16xi32>,
      tpu.vector_store %arg12[%swap3A], %add3A_41 {strides = array<i32>} : memref<4096xi32, #tpu.memory_space<vmem>>, vector<16xi32>,
    }
    %scan3A_7 = arith.constant 256 : i32
    %scan3A_8 = arith.constant 0 : i32
    %scan3A_9 = arith.constant 32 : i32
    %scan3A_10 = arith.addi %scan3A_8, %scan3A_9 : i32
    %scan3A_11 = arith.constant 1 : i32
    scf.for %scan3A_29 = %scan3A_8 to %scan3A_10 step %scan3A_11  : i32 {
      %mul3A_30 = arith.constant 128 : i32
      %mul3A_31 = arith.muli %scan3A_29, %mul3A_30 : i32
      %mul3A_32 = arith.constant 128 : i32
      %mul3A_33 = arith.muli %scan3A_29, %mul3A_32 : i32
      %dma_start3A = tpu.memref_slice %arg14[%mul3A_33] : memref<4096xf32, #tpu.memory_space<vmem>> -> memref<128xf32, #tpu.memory_space<vmem>>
      %dma_start3A_34 = tpu.memref_slice %arg12[%mul3A_31] : memref<4096xi32, #tpu.memory_space<vmem>> -> memref<128xi32, #tpu.memory_space<vmem>>
      %dma_start3A_35 = arith.constant 0 : i32
      %dma_start3A_36 = tpu.memref_slice %arg5[%dma_start3A_35] : memref<100000000xf32, #tpu.memory_space<hbm>> -> memref<100000000xf32, #tpu.memory_space<hbm>>
      tpu.enqueue_indirect_dma source(%dma_start3A_36 : memref<100000000xf32, #tpu.memory_space<hbm>>) target(%dma_start3A : memref<128xf32, #tpu.memory_space<vmem>>) offsets(%dma_start3A_34 : memref<128xi32, #tpu.memory_space<vmem>>) semaphore(%arg17 : memref<!tpu.dma_semaphore, #tpu.memory_space<semaphore_mem>>)
    }
    %scan3A_12 = arith.constant 32 : i32
    "tpu.region"() ({
      %run_scoped3A_29 = tpu.sem_alloc : memref<!tpu.dma_semaphore, #tpu.memory_space<semaphore_mem>>
      tpu.enqueue_dma source(%arg2 : memref<10000xf32, #tpu.memory_space<hbm>>) target(%arg8 : memref<10000xf32, #tpu.memory_space<vmem>>) target_semaphore(%run_scoped3A_29 : memref<!tpu.dma_semaphore, #tpu.memory_space<semaphore_mem>>)
      tpu.wait_dma2 semaphore(%run_scoped3A_29 : memref<!tpu.dma_semaphore, #tpu.memory_space<semaphore_mem>>) src(%arg2 : memref<10000xf32, #tpu.memory_space<hbm>>) dst(%arg8 : memref<10000xf32, #tpu.memory_space<vmem>>)
      tpu.yield
    }) : () -> ()
    "tpu.region"() ({
      %run_scoped3A_29 = tpu.sem_alloc : memref<!tpu.dma_semaphore, #tpu.memory_space<semaphore_mem>>
      tpu.enqueue_dma source(%arg3 : memref<10000xf32, #tpu.memory_space<hbm>>) target(%arg9 : memref<10000xf32, #tpu.memory_space<vmem>>) target_semaphore(%run_scoped3A_29 : memref<!tpu.dma_semaphore, #tpu.memory_space<semaphore_mem>>)
      tpu.wait_dma2 semaphore(%run_scoped3A_29 : memref<!tpu.dma_semaphore, #tpu.memory_space<semaphore_mem>>) src(%arg3 : memref<10000xf32, #tpu.memory_space<hbm>>) dst(%arg9 : memref<10000xf32, #tpu.memory_space<vmem>>)
      tpu.yield
    }) : () -> ()
    "tpu.region"() ({
      %run_scoped3A_29 = tpu.sem_alloc : memref<!tpu.dma_semaphore, #tpu.memory_space<semaphore_mem>>
      tpu.enqueue_dma source(%arg6 : memref<16xf32, #tpu.memory_space<hbm>>) target(%arg16 : memref<16xf32, #tpu.memory_space<vmem>>) target_semaphore(%run_scoped3A_29 : memref<!tpu.dma_semaphore, #tpu.memory_space<semaphore_mem>>)
      tpu.wait_dma2 semaphore(%run_scoped3A_29 : memref<!tpu.dma_semaphore, #tpu.memory_space<semaphore_mem>>) src(%arg6 : memref<16xf32, #tpu.memory_space<hbm>>) dst(%arg16 : memref<16xf32, #tpu.memory_space<vmem>>)
      tpu.yield
    }) : () -> ()
    %get3A = arith.constant 0 : index
    %get3A_13 = tpu.vector_load %arg16[%get3A] {strides = array<i32>} : memref<16xf32, #tpu.memory_space<vmem>>, vector<16xf32>,
    %scan3A_14 = arith.constant 0 : i32
    %scan3A_15 = arith.constant 256 : i32
    %scan3A_16 = arith.addi %scan3A_14, %scan3A_15 : i32
    %scan3A_17 = arith.constant 1 : i32
    scf.for %scan3A_29 = %scan3A_14 to %scan3A_16 step %scan3A_17  : i32 {
      %mul3A_30 = arith.constant 16 : i32
      %mul3A_31 = arith.muli %scan3A_29, %mul3A_30 : i32
      %get3A_32 = arith.index_cast %mul3A_31 : i32 to index
      %get3A_33 = tpu.vector_load %arg10[%get3A_32] {strides = array<i32>} : memref<4096xi32, #tpu.memory_space<vmem>>, vector<16xi32>,
      %mul3A_34 = arith.constant 16 : i32
      %mul3A_35 = arith.muli %scan3A_29, %mul3A_34 : i32
      %get3A_36 = arith.index_cast %mul3A_35 : i32 to index
      %get3A_37 = tpu.vector_load %arg11[%get3A_36] {strides = array<i32>} : memref<4096xi32, #tpu.memory_space<vmem>>, vector<16xi32>,
      %gather3A = tpu.vector_load_idx %arg8[%get3A_33] : memref<10000xf32, #tpu.memory_space<vmem>>[vector<16xi32>], vector<16xf32>,
      %gather3A_38 = tpu.vector_load_idx %arg9[%get3A_37] : memref<10000xf32, #tpu.memory_space<vmem>>[vector<16xi32>], vector<16xf32>,
      %add3A_39 = arith.addf %gather3A, %gather3A_38 : vector<16xf32>
      %mul3A_40 = arith.constant 16 : i32
      %mul3A_41 = arith.muli %scan3A_29, %mul3A_40 : i32
      %swap3A = arith.index_cast %mul3A_41 : i32 to index
      %swap3A_42 = tpu.vector_load %arg13[%swap3A] {strides = array<i32>} : memref<4096xf32, #tpu.memory_space<vmem>>, vector<16xf32>,
      tpu.vector_store %arg13[%swap3A], %add3A_39 {strides = array<i32>} : memref<4096xf32, #tpu.memory_space<vmem>>, vector<16xf32>,
    }
    %scan3A_18 = arith.constant 256 : i32
    %scan3A_19 = arith.constant 0 : i32
    %scan3A_20 = arith.constant 32 : i32
    %scan3A_21 = arith.addi %scan3A_19, %scan3A_20 : i32
    %scan3A_22 = arith.constant 1 : i32
    scf.for %scan3A_29 = %scan3A_19 to %scan3A_21 step %scan3A_22  : i32 {
      %mul3A_30 = arith.constant 128 : i32
      %mul3A_31 = arith.muli %scan3A_29, %mul3A_30 : i32
      %mul3A_32 = arith.constant 128 : i32
      %mul3A_33 = arith.muli %scan3A_29, %mul3A_32 : i32
      %dma_wait3A = tpu.memref_slice %arg14[%mul3A_33] : memref<4096xf32, #tpu.memory_space<vmem>> -> memref<128xf32, #tpu.memory_space<vmem>>
      %dma_wait3A_34 = tpu.memref_slice %arg12[%mul3A_31] : memref<4096xi32, #tpu.memory_space<vmem>> -> memref<128xi32, #tpu.memory_space<vmem>>
      %dma_wait3A_35 = arith.constant 0 : i32
      %dma_wait3A_36 = tpu.memref_slice %arg5[%dma_wait3A_35] : memref<100000000xf32, #tpu.memory_space<hbm>> -> memref<100000000xf32, #tpu.memory_space<hbm>>
      tpu.wait_indirect_dma semaphore(%arg17 : memref<!tpu.dma_semaphore, #tpu.memory_space<semaphore_mem>>) src(%dma_wait3A_36 : memref<100000000xf32, #tpu.memory_space<hbm>>) dst(%dma_wait3A : memref<128xf32, #tpu.memory_space<vmem>>)
    }
    %scan3A_23 = arith.constant 32 : i32
    %scan3A_24 = arith.constant 0 : i32
    %scan3A_25 = arith.constant 256 : i32
    %scan3A_26 = arith.addi %scan3A_24, %scan3A_25 : i32
    %scan3A_27 = arith.constant 1 : i32
    scf.for %scan3A_29 = %scan3A_24 to %scan3A_26 step %scan3A_27  : i32 {
      %mul3A_30 = arith.constant 16 : i32
      %mul3A_31 = arith.muli %scan3A_29, %mul3A_30 : i32
      %get3A_32 = arith.index_cast %mul3A_31 : i32 to index
      %get3A_33 = tpu.vector_load %arg13[%get3A_32] {strides = array<i32>} : memref<4096xf32, #tpu.memory_space<vmem>>, vector<16xf32>,
      %mul3A_34 = arith.constant 16 : i32
      %mul3A_35 = arith.muli %scan3A_29, %mul3A_34 : i32
      %get3A_36 = arith.index_cast %mul3A_35 : i32 to index
      %get3A_37 = tpu.vector_load %arg14[%get3A_36] {strides = array<i32>} : memref<4096xf32, #tpu.memory_space<vmem>>, vector<16xf32>,
      %mul3A_38 = arith.mulf %get3A_13, %get3A_37 : vector<16xf32>
      %add3A_39 = arith.addf %get3A_33, %mul3A_38 : vector<16xf32>
      %mul3A_40 = arith.constant -2.000000e+00 : f32
      %mul3A_41 = vector.broadcast %mul3A_40 : f32 to vector<16xf32>
      %mul3A_42 = arith.mulf %mul3A_41, %add3A_39 : vector<16xf32>
      %exp3A = math.exp %mul3A_42 : vector<16xf32>
      %add3A_43 = arith.constant 1.000000e+00 : f32
      %add3A_44 = vector.broadcast %add3A_43 : f32 to vector<16xf32>
      %add3A_45 = arith.addf %add3A_44, %exp3A : vector<16xf32>
      %div3A = arith.constant 2.000000e+00 : f32
      %div3A_46 = vector.broadcast %div3A : f32 to vector<16xf32>
      %div3A_47 = arith.divf %div3A_46, %add3A_45 : vector<16xf32>
      %sub3A = arith.constant 1.000000e+00 : f32
      %sub3A_48 = vector.broadcast %sub3A : f32 to vector<16xf32>
      %sub3A_49 = arith.subf %div3A_47, %sub3A_48 : vector<16xf32>
      %mul3A_50 = arith.constant 16 : i32
      %mul3A_51 = arith.muli %scan3A_29, %mul3A_50 : i32
      %swap3A = arith.index_cast %mul3A_51 : i32 to index
      %swap3A_52 = tpu.vector_load %arg15[%swap3A] {strides = array<i32>} : memref<4096xf32, #tpu.memory_space<vmem>>, vector<16xf32>,
      tpu.vector_store %arg15[%swap3A], %sub3A_49 {strides = array<i32>} : memref<4096xf32, #tpu.memory_space<vmem>>, vector<16xf32>,
    }
    %scan3A_28 = arith.constant 256 : i32
    "tpu.region"() ({
      %run_scoped3A_29 = tpu.sem_alloc : memref<!tpu.dma_semaphore, #tpu.memory_space<semaphore_mem>>
      %dma_start3A = tpu.memref_slice %arg7[%mul3A_2] : memref<131072xf32, #tpu.memory_space<hbm>> -> memref<4096xf32, #tpu.memory_space<hbm>>
      %dma_start3A_30 = tpu.memref_slice %arg7[%mul3A_2] : memref<131072xf32, #tpu.memory_space<hbm>> -> memref<4096xf32, #tpu.memory_space<hbm>>
      tpu.enqueue_dma source(%arg15 : memref<4096xf32, #tpu.memory_space<vmem>>) target(%dma_start3A_30 : memref<4096xf32, #tpu.memory_space<hbm>>) target_semaphore(%run_scoped3A_29 : memref<!tpu.dma_semaphore, #tpu.memory_space<semaphore_mem>>)
      %dma_wait3A = tpu.memref_slice %arg7[%mul3A_2] : memref<131072xf32, #tpu.memory_space<hbm>> -> memref<4096xf32, #tpu.memory_space<hbm>>
      %dma_wait3A_31 = tpu.memref_slice %arg7[%mul3A_2] : memref<131072xf32, #tpu.memory_space<hbm>> -> memref<4096xf32, #tpu.memory_space<hbm>>
      tpu.wait_dma2 semaphore(%run_scoped3A_29 : memref<!tpu.dma_semaphore, #tpu.memory_space<semaphore_mem>>) src(%arg15 : memref<4096xf32, #tpu.memory_space<vmem>>) dst(%dma_wait3A_31 : memref<4096xf32, #tpu.memory_space<hbm>>)
      tpu.yield
    }) : () -> ()
    return
  }
}

#map = affine_map<(d0, d1) -> (0, 0)>
#map1 = affine_map<(d0, d1) -> (0, 0, 0)>
#map2 = affine_map<(d0, d1) -> (0)>
module attributes {stable_mosaic.version = 14 : i64} {
  func.func @_edge_body(%arg0: i32, %arg1: i32, %arg2: memref<10000x128xf32, #tpu.memory_space<hbm>>, %arg3: memref<32x10000xi32, #tpu.memory_space<hbm>>, %arg4: memref<32x125x80xi32, #tpu.memory_space<hbm>>, %arg5: memref<128x128xf32, #tpu.memory_space<hbm>>, %arg6: memref<16xi32, #tpu.memory_space<hbm>>, %arg7: memref<2x10240x128xf32, #tpu.memory_space<hbm>>, %arg8: memref<10000xi32, #tpu.memory_space<vmem>>, %arg9: memref<125x80xi32, #tpu.memory_space<vmem>>, %arg10: memref<2x80x128xf32, #tpu.memory_space<vmem>>, %arg11: memref<16xi32, #tpu.memory_space<vmem>>, %arg12: memref<10240x128xf32, #tpu.memory_space<vmem_shared>>, %arg13: memref<!tpu.dma_semaphore, #tpu.memory_space<semaphore_mem>>) attributes {dimension_semantics = [#tpu.dimension_semantics<core_parallel>, #tpu.dimension_semantics<subcore_parallel>], iteration_bounds = array<i64: 2, 16>, scalar_prefetch = 0 : i64, scratch_operands = 6 : i64, tpu.core_type = #tpu.core_type<sc_vector_subcore>, window_params = [{transform_indices = #map}, {transform_indices = #map}, {transform_indices = #map1}, {transform_indices = #map}, {transform_indices = #map2}, {transform_indices = #map1}]} {
    %mul3A = arith.constant 16 : i32
    %mul3A_0 = arith.muli %arg0, %mul3A : i32
    %add3A = arith.addi %mul3A_0, %arg1 : i32
    "tpu.region"() ({
      %run_scoped3A_83 = tpu.sem_alloc : memref<!tpu.dma_semaphore, #tpu.memory_space<semaphore_mem>>
      %dma_start3A_84 = arith.constant 0 : i32
      %dma_start3A_85 = tpu.memref_slice %arg3[%add3A, %dma_start3A_84] : memref<32x10000xi32, #tpu.memory_space<hbm>> -> memref<1x10000xi32, #tpu.memory_space<hbm>>
      %dma_start3A_86 = tpu.memref_squeeze %dma_start3A_85 : memref<1x10000xi32, #tpu.memory_space<hbm>> -> memref<10000xi32, #tpu.memory_space<hbm>>
      %dma_start3A_87 = arith.constant 0 : i32
      %dma_start3A_88 = tpu.memref_slice %arg3[%add3A, %dma_start3A_87] : memref<32x10000xi32, #tpu.memory_space<hbm>> -> memref<1x10000xi32, #tpu.memory_space<hbm>>
      %dma_start3A_89 = tpu.memref_squeeze %dma_start3A_88 : memref<1x10000xi32, #tpu.memory_space<hbm>> -> memref<10000xi32, #tpu.memory_space<hbm>>
      tpu.enqueue_dma source(%dma_start3A_89 : memref<10000xi32, #tpu.memory_space<hbm>>) target(%arg8 : memref<10000xi32, #tpu.memory_space<vmem>>) target_semaphore(%run_scoped3A_83 : memref<!tpu.dma_semaphore, #tpu.memory_space<semaphore_mem>>)
      %dma_wait3A_90 = arith.constant 0 : i32
      %dma_wait3A_91 = tpu.memref_slice %arg3[%add3A, %dma_wait3A_90] : memref<32x10000xi32, #tpu.memory_space<hbm>> -> memref<1x10000xi32, #tpu.memory_space<hbm>>
      %dma_wait3A_92 = tpu.memref_squeeze %dma_wait3A_91 : memref<1x10000xi32, #tpu.memory_space<hbm>> -> memref<10000xi32, #tpu.memory_space<hbm>>
      %dma_wait3A_93 = arith.constant 0 : i32
      %dma_wait3A_94 = tpu.memref_slice %arg3[%add3A, %dma_wait3A_93] : memref<32x10000xi32, #tpu.memory_space<hbm>> -> memref<1x10000xi32, #tpu.memory_space<hbm>>
      %dma_wait3A_95 = tpu.memref_squeeze %dma_wait3A_94 : memref<1x10000xi32, #tpu.memory_space<hbm>> -> memref<10000xi32, #tpu.memory_space<hbm>>
      tpu.wait_dma2 semaphore(%run_scoped3A_83 : memref<!tpu.dma_semaphore, #tpu.memory_space<semaphore_mem>>) src(%dma_wait3A_95 : memref<10000xi32, #tpu.memory_space<hbm>>) dst(%arg8 : memref<10000xi32, #tpu.memory_space<vmem>>)
      tpu.yield
    }) : () -> ()
    "tpu.region"() ({
      %run_scoped3A_83 = tpu.sem_alloc : memref<!tpu.dma_semaphore, #tpu.memory_space<semaphore_mem>>
      %dma_start3A_84 = arith.constant 0 : i32
      %dma_start3A_85 = arith.constant 0 : i32
      %dma_start3A_86 = tpu.memref_slice %arg4[%add3A, %dma_start3A_84, %dma_start3A_85] : memref<32x125x80xi32, #tpu.memory_space<hbm>> -> memref<1x125x80xi32, #tpu.memory_space<hbm>>
      %dma_start3A_87 = tpu.memref_squeeze %dma_start3A_86 : memref<1x125x80xi32, #tpu.memory_space<hbm>> -> memref<125x80xi32, #tpu.memory_space<hbm>>
      %dma_start3A_88 = arith.constant 0 : i32
      %dma_start3A_89 = arith.constant 0 : i32
      %dma_start3A_90 = tpu.memref_slice %arg4[%add3A, %dma_start3A_88, %dma_start3A_89] : memref<32x125x80xi32, #tpu.memory_space<hbm>> -> memref<1x125x80xi32, #tpu.memory_space<hbm>>
      %dma_start3A_91 = tpu.memref_squeeze %dma_start3A_90 : memref<1x125x80xi32, #tpu.memory_space<hbm>> -> memref<125x80xi32, #tpu.memory_space<hbm>>
      tpu.enqueue_dma source(%dma_start3A_91 : memref<125x80xi32, #tpu.memory_space<hbm>>) target(%arg9 : memref<125x80xi32, #tpu.memory_space<vmem>>) target_semaphore(%run_scoped3A_83 : memref<!tpu.dma_semaphore, #tpu.memory_space<semaphore_mem>>)
      %dma_wait3A_92 = arith.constant 0 : i32
      %dma_wait3A_93 = arith.constant 0 : i32
      %dma_wait3A_94 = tpu.memref_slice %arg4[%add3A, %dma_wait3A_92, %dma_wait3A_93] : memref<32x125x80xi32, #tpu.memory_space<hbm>> -> memref<1x125x80xi32, #tpu.memory_space<hbm>>
      %dma_wait3A_95 = tpu.memref_squeeze %dma_wait3A_94 : memref<1x125x80xi32, #tpu.memory_space<hbm>> -> memref<125x80xi32, #tpu.memory_space<hbm>>
      %dma_wait3A_96 = arith.constant 0 : i32
      %dma_wait3A_97 = arith.constant 0 : i32
      %dma_wait3A_98 = tpu.memref_slice %arg4[%add3A, %dma_wait3A_96, %dma_wait3A_97] : memref<32x125x80xi32, #tpu.memory_space<hbm>> -> memref<1x125x80xi32, #tpu.memory_space<hbm>>
      %dma_wait3A_99 = tpu.memref_squeeze %dma_wait3A_98 : memref<1x125x80xi32, #tpu.memory_space<hbm>> -> memref<125x80xi32, #tpu.memory_space<hbm>>
      tpu.wait_dma2 semaphore(%run_scoped3A_83 : memref<!tpu.dma_semaphore, #tpu.memory_space<semaphore_mem>>) src(%dma_wait3A_99 : memref<125x80xi32, #tpu.memory_space<hbm>>) dst(%arg9 : memref<125x80xi32, #tpu.memory_space<vmem>>)
      tpu.yield
    }) : () -> ()
    "tpu.region"() ({
      %run_scoped3A_83 = tpu.sem_alloc : memref<!tpu.dma_semaphore, #tpu.memory_space<semaphore_mem>>
      tpu.enqueue_dma source(%arg6 : memref<16xi32, #tpu.memory_space<hbm>>) target(%arg11 : memref<16xi32, #tpu.memory_space<vmem>>) target_semaphore(%run_scoped3A_83 : memref<!tpu.dma_semaphore, #tpu.memory_space<semaphore_mem>>)
      tpu.wait_dma2 semaphore(%run_scoped3A_83 : memref<!tpu.dma_semaphore, #tpu.memory_space<semaphore_mem>>) src(%arg6 : memref<16xi32, #tpu.memory_space<hbm>>) dst(%arg11 : memref<16xi32, #tpu.memory_space<vmem>>)
      tpu.yield
    }) : () -> ()
    %mul3A_1 = arith.constant 640 : i32
    %mul3A_2 = arith.muli %arg1, %mul3A_1 : i32
    %add3A_3 = arith.constant 0 : i32
    %add3A_4 = arith.addi %mul3A_2, %add3A_3 : i32
    "tpu.region"() ({
      %run_scoped3A_83 = tpu.sem_alloc : memref<!tpu.dma_semaphore, #tpu.memory_space<semaphore_mem>>
      %dma_start3A_84 = arith.constant 0 : i32
      %dma_start3A_85 = tpu.memref_slice %arg12[%add3A_4, %dma_start3A_84] : memref<10240x128xf32, #tpu.memory_space<vmem_shared>> -> memref<128x128xf32, #tpu.memory_space<vmem_shared>>
      tpu.enqueue_dma source(%arg5 : memref<128x128xf32, #tpu.memory_space<hbm>>) target(%dma_start3A_85 : memref<128x128xf32, #tpu.memory_space<vmem_shared>>) target_semaphore(%run_scoped3A_83 : memref<!tpu.dma_semaphore, #tpu.memory_space<semaphore_mem>>)
      %dma_wait3A_86 = arith.constant 0 : i32
      %dma_wait3A_87 = tpu.memref_slice %arg12[%add3A_4, %dma_wait3A_86] : memref<10240x128xf32, #tpu.memory_space<vmem_shared>> -> memref<128x128xf32, #tpu.memory_space<vmem_shared>>
      tpu.wait_dma2 semaphore(%run_scoped3A_83 : memref<!tpu.dma_semaphore, #tpu.memory_space<semaphore_mem>>) src(%arg5 : memref<128x128xf32, #tpu.memory_space<hbm>>) dst(%dma_wait3A_87 : memref<128x128xf32, #tpu.memory_space<vmem_shared>>)
      tpu.yield
    }) : () -> ()
    %mul3A_5 = arith.constant 640 : i32
    %mul3A_6 = arith.muli %arg1, %mul3A_5 : i32
    %add3A_7 = arith.constant 128 : i32
    %add3A_8 = arith.addi %mul3A_6, %add3A_7 : i32
    "tpu.region"() ({
      %run_scoped3A_83 = tpu.sem_alloc : memref<!tpu.dma_semaphore, #tpu.memory_space<semaphore_mem>>
      %dma_start3A_84 = arith.constant 0 : i32
      %dma_start3A_85 = tpu.memref_slice %arg12[%add3A_8, %dma_start3A_84] : memref<10240x128xf32, #tpu.memory_space<vmem_shared>> -> memref<128x128xf32, #tpu.memory_space<vmem_shared>>
      tpu.enqueue_dma source(%arg5 : memref<128x128xf32, #tpu.memory_space<hbm>>) target(%dma_start3A_85 : memref<128x128xf32, #tpu.memory_space<vmem_shared>>) target_semaphore(%run_scoped3A_83 : memref<!tpu.dma_semaphore, #tpu.memory_space<semaphore_mem>>)
      %dma_wait3A_86 = arith.constant 0 : i32
      %dma_wait3A_87 = tpu.memref_slice %arg12[%add3A_8, %dma_wait3A_86] : memref<10240x128xf32, #tpu.memory_space<vmem_shared>> -> memref<128x128xf32, #tpu.memory_space<vmem_shared>>
      tpu.wait_dma2 semaphore(%run_scoped3A_83 : memref<!tpu.dma_semaphore, #tpu.memory_space<semaphore_mem>>) src(%arg5 : memref<128x128xf32, #tpu.memory_space<hbm>>) dst(%dma_wait3A_87 : memref<128x128xf32, #tpu.memory_space<vmem_shared>>)
      tpu.yield
    }) : () -> ()
    %mul3A_9 = arith.constant 640 : i32
    %mul3A_10 = arith.muli %arg1, %mul3A_9 : i32
    %add3A_11 = arith.constant 256 : i32
    %add3A_12 = arith.addi %mul3A_10, %add3A_11 : i32
    "tpu.region"() ({
      %run_scoped3A_83 = tpu.sem_alloc : memref<!tpu.dma_semaphore, #tpu.memory_space<semaphore_mem>>
      %dma_start3A_84 = arith.constant 0 : i32
      %dma_start3A_85 = tpu.memref_slice %arg12[%add3A_12, %dma_start3A_84] : memref<10240x128xf32, #tpu.memory_space<vmem_shared>> -> memref<128x128xf32, #tpu.memory_space<vmem_shared>>
      tpu.enqueue_dma source(%arg5 : memref<128x128xf32, #tpu.memory_space<hbm>>) target(%dma_start3A_85 : memref<128x128xf32, #tpu.memory_space<vmem_shared>>) target_semaphore(%run_scoped3A_83 : memref<!tpu.dma_semaphore, #tpu.memory_space<semaphore_mem>>)
      %dma_wait3A_86 = arith.constant 0 : i32
      %dma_wait3A_87 = tpu.memref_slice %arg12[%add3A_12, %dma_wait3A_86] : memref<10240x128xf32, #tpu.memory_space<vmem_shared>> -> memref<128x128xf32, #tpu.memory_space<vmem_shared>>
      tpu.wait_dma2 semaphore(%run_scoped3A_83 : memref<!tpu.dma_semaphore, #tpu.memory_space<semaphore_mem>>) src(%arg5 : memref<128x128xf32, #tpu.memory_space<hbm>>) dst(%dma_wait3A_87 : memref<128x128xf32, #tpu.memory_space<vmem_shared>>)
      tpu.yield
    }) : () -> ()
    %mul3A_13 = arith.constant 640 : i32
    %mul3A_14 = arith.muli %arg1, %mul3A_13 : i32
    %add3A_15 = arith.constant 384 : i32
    %add3A_16 = arith.addi %mul3A_14, %add3A_15 : i32
    "tpu.region"() ({
      %run_scoped3A_83 = tpu.sem_alloc : memref<!tpu.dma_semaphore, #tpu.memory_space<semaphore_mem>>
      %dma_start3A_84 = arith.constant 0 : i32
      %dma_start3A_85 = tpu.memref_slice %arg12[%add3A_16, %dma_start3A_84] : memref<10240x128xf32, #tpu.memory_space<vmem_shared>> -> memref<128x128xf32, #tpu.memory_space<vmem_shared>>
      tpu.enqueue_dma source(%arg5 : memref<128x128xf32, #tpu.memory_space<hbm>>) target(%dma_start3A_85 : memref<128x128xf32, #tpu.memory_space<vmem_shared>>) target_semaphore(%run_scoped3A_83 : memref<!tpu.dma_semaphore, #tpu.memory_space<semaphore_mem>>)
      %dma_wait3A_86 = arith.constant 0 : i32
      %dma_wait3A_87 = tpu.memref_slice %arg12[%add3A_16, %dma_wait3A_86] : memref<10240x128xf32, #tpu.memory_space<vmem_shared>> -> memref<128x128xf32, #tpu.memory_space<vmem_shared>>
      tpu.wait_dma2 semaphore(%run_scoped3A_83 : memref<!tpu.dma_semaphore, #tpu.memory_space<semaphore_mem>>) src(%arg5 : memref<128x128xf32, #tpu.memory_space<hbm>>) dst(%dma_wait3A_87 : memref<128x128xf32, #tpu.memory_space<vmem_shared>>)
      tpu.yield
    }) : () -> ()
    %mul3A_17 = arith.constant 640 : i32
    %mul3A_18 = arith.muli %arg1, %mul3A_17 : i32
    %add3A_19 = arith.constant 512 : i32
    %add3A_20 = arith.addi %mul3A_18, %add3A_19 : i32
    "tpu.region"() ({
      %run_scoped3A_83 = tpu.sem_alloc : memref<!tpu.dma_semaphore, #tpu.memory_space<semaphore_mem>>
      %dma_start3A_84 = arith.constant 0 : i32
      %dma_start3A_85 = tpu.memref_slice %arg12[%add3A_20, %dma_start3A_84] : memref<10240x128xf32, #tpu.memory_space<vmem_shared>> -> memref<128x128xf32, #tpu.memory_space<vmem_shared>>
      tpu.enqueue_dma source(%arg5 : memref<128x128xf32, #tpu.memory_space<hbm>>) target(%dma_start3A_85 : memref<128x128xf32, #tpu.memory_space<vmem_shared>>) target_semaphore(%run_scoped3A_83 : memref<!tpu.dma_semaphore, #tpu.memory_space<semaphore_mem>>)
      %dma_wait3A_86 = arith.constant 0 : i32
      %dma_wait3A_87 = tpu.memref_slice %arg12[%add3A_20, %dma_wait3A_86] : memref<10240x128xf32, #tpu.memory_space<vmem_shared>> -> memref<128x128xf32, #tpu.memory_space<vmem_shared>>
      tpu.wait_dma2 semaphore(%run_scoped3A_83 : memref<!tpu.dma_semaphore, #tpu.memory_space<semaphore_mem>>) src(%arg5 : memref<128x128xf32, #tpu.memory_space<hbm>>) dst(%dma_wait3A_87 : memref<128x128xf32, #tpu.memory_space<vmem_shared>>)
      tpu.yield
    }) : () -> ()
    %barrier3A = arith.constant 0 : index
    tpu.barrier barrier_id(%barrier3A)
    %dma_start3A = arith.constant 0 : i32
    %dma_start3A_21 = arith.constant 0 : i32
    %dma_start3A_22 = arith.constant 0 : i32
    %dma_start3A_23 = tpu.memref_slice %arg10[%dma_start3A, %dma_start3A_21, %dma_start3A_22] : memref<2x80x128xf32, #tpu.memory_space<vmem>> -> memref<1x80x128xf32, #tpu.memory_space<vmem>>
    %dma_start3A_24 = tpu.memref_squeeze %dma_start3A_23 : memref<1x80x128xf32, #tpu.memory_space<vmem>> -> memref<80x128xf32, #tpu.memory_space<vmem>>
    %dma_start3A_25 = arith.constant 0 : i32
    %dma_start3A_26 = tpu.memref_slice %arg8[%dma_start3A_25] : memref<10000xi32, #tpu.memory_space<vmem>> -> memref<80xi32, #tpu.memory_space<vmem>>
    %dma_start3A_27 = arith.constant 0 : i32
    %dma_start3A_28 = arith.constant 0 : i32
    %dma_start3A_29 = tpu.memref_slice %arg2[%dma_start3A_27, %dma_start3A_28] : memref<10000x128xf32, #tpu.memory_space<hbm>> -> memref<10000x128xf32, #tpu.memory_space<hbm>>
    tpu.enqueue_indirect_dma source(%dma_start3A_29 : memref<10000x128xf32, #tpu.memory_space<hbm>>) target(%dma_start3A_24 : memref<80x128xf32, #tpu.memory_space<vmem>>) offsets(%dma_start3A_26 : memref<80xi32, #tpu.memory_space<vmem>>) semaphore(%arg13 : memref<!tpu.dma_semaphore, #tpu.memory_space<semaphore_mem>>)
    %dma_start3A_30 = arith.constant 1 : i32
    %dma_start3A_31 = arith.constant 0 : i32
    %dma_start3A_32 = arith.constant 0 : i32
    %dma_start3A_33 = tpu.memref_slice %arg10[%dma_start3A_30, %dma_start3A_31, %dma_start3A_32] : memref<2x80x128xf32, #tpu.memory_space<vmem>> -> memref<1x80x128xf32, #tpu.memory_space<vmem>>
    %dma_start3A_34 = tpu.memref_squeeze %dma_start3A_33 : memref<1x80x128xf32, #tpu.memory_space<vmem>> -> memref<80x128xf32, #tpu.memory_space<vmem>>
    %dma_start3A_35 = arith.constant 80 : i32
    %dma_start3A_36 = tpu.memref_slice %arg8[%dma_start3A_35] : memref<10000xi32, #tpu.memory_space<vmem>> -> memref<80xi32, #tpu.memory_space<vmem>>
    %dma_start3A_37 = arith.constant 0 : i32
    %dma_start3A_38 = arith.constant 0 : i32
    %dma_start3A_39 = tpu.memref_slice %arg2[%dma_start3A_37, %dma_start3A_38] : memref<10000x128xf32, #tpu.memory_space<hbm>> -> memref<10000x128xf32, #tpu.memory_space<hbm>>
    tpu.enqueue_indirect_dma source(%dma_start3A_39 : memref<10000x128xf32, #tpu.memory_space<hbm>>) target(%dma_start3A_34 : memref<80x128xf32, #tpu.memory_space<vmem>>) offsets(%dma_start3A_36 : memref<80xi32, #tpu.memory_space<vmem>>) semaphore(%arg13 : memref<!tpu.dma_semaphore, #tpu.memory_space<semaphore_mem>>)
    %get3A = arith.constant 0 : index
    %get3A_40 = tpu.vector_load %arg11[%get3A] {strides = array<i32>} : memref<16xi32, #tpu.memory_space<vmem>>, vector<16xi32>,
    %reduce_max3A = arith.constant true
    %reduce_max3A_41 = vector.broadcast %reduce_max3A : i1 to vector<16xi1>
    %reduce_max3A_42 = arith.constant -2147483648 : i32
    %reduce_max3A_43 = vector.broadcast %reduce_max3A_42 : i32 to vector<16xi32>
    %reduce_max3A_44 = arith.xori %get3A_40, %reduce_max3A_43 : vector<16xi32>
    %reduce_max3A_45 = tpu.scan <max>, %reduce_max3A_44 masked %reduce_max3A_41 : vector<16xi32>, vector<16xi1> -> vector<16xi32>
    %reduce_max3A_46 = arith.xori %reduce_max3A_45, %reduce_max3A_43 : vector<16xi32>
    %reduce_max3A_47 = vector.extract %reduce_max3A_46[15] : i32 from vector<16xi32>
    %while3A = arith.constant 0 : i32
    %while3A_48 = arith.subi %reduce_max3A_47, %while3A : i32
    %while3A_49 = arith.addi %while3A, %while3A_48 : i32
    %while3A_50 = arith.constant 1 : i32
    %while3A_51 = arith.divsi %while3A_48, %while3A_50 : i32
    %while3A_52 = arith.muli %while3A_51, %while3A_50 : i32
    %while3A_53 = arith.addi %while3A, %while3A_52 : i32
    %while3A_54 = arith.constant 1 : i32
    scf.for %while3A_83 = %while3A to %while3A_53 step %while3A_54  : i32 {
      %rem3A = arith.constant 2 : i32
      %rem3A_84 = arith.remsi %while3A_83, %rem3A : i32
      %mul3A_85 = arith.constant 80 : i32
      %mul3A_86 = arith.muli %while3A_83, %mul3A_85 : i32
      %dma_wait3A_87 = arith.constant 0 : i32
      %dma_wait3A_88 = arith.constant 0 : i32
      %dma_wait3A_89 = tpu.memref_slice %arg10[%rem3A_84, %dma_wait3A_87, %dma_wait3A_88] : memref<2x80x128xf32, #tpu.memory_space<vmem>> -> memref<1x80x128xf32, #tpu.memory_space<vmem>>
      %dma_wait3A_90 = tpu.memref_squeeze %dma_wait3A_89 : memref<1x80x128xf32, #tpu.memory_space<vmem>> -> memref<80x128xf32, #tpu.memory_space<vmem>>
      %dma_wait3A_91 = tpu.memref_slice %arg8[%mul3A_86] : memref<10000xi32, #tpu.memory_space<vmem>> -> memref<80xi32, #tpu.memory_space<vmem>>
      %dma_wait3A_92 = arith.constant 0 : i32
      %dma_wait3A_93 = arith.constant 0 : i32
      %dma_wait3A_94 = tpu.memref_slice %arg2[%dma_wait3A_92, %dma_wait3A_93] : memref<10000x128xf32, #tpu.memory_space<hbm>> -> memref<10000x128xf32, #tpu.memory_space<hbm>>
      tpu.wait_indirect_dma semaphore(%arg13 : memref<!tpu.dma_semaphore, #tpu.memory_space<semaphore_mem>>) src(%dma_wait3A_94 : memref<10000x128xf32, #tpu.memory_space<hbm>>) dst(%dma_wait3A_90 : memref<80x128xf32, #tpu.memory_space<vmem>>)
      "tpu.region"() ({
        %run_scoped3A_107 = tpu.sem_alloc : memref<!tpu.dma_semaphore, #tpu.memory_space<semaphore_mem>>
        %dma_start3A_108 = arith.constant 0 : i32
        %dma_start3A_109 = arith.constant 0 : i32
        %dma_start3A_110 = tpu.memref_slice %arg10[%rem3A_84, %dma_start3A_108, %dma_start3A_109] : memref<2x80x128xf32, #tpu.memory_space<vmem>> -> memref<1x80x128xf32, #tpu.memory_space<vmem>>
        %dma_start3A_111 = tpu.memref_squeeze %dma_start3A_110 : memref<1x80x128xf32, #tpu.memory_space<vmem>> -> memref<80x128xf32, #tpu.memory_space<vmem>>
        %dma_start3A_112 = arith.constant 0 : i32
        %dma_start3A_113 = tpu.memref_slice %arg9[%while3A_83, %dma_start3A_112] : memref<125x80xi32, #tpu.memory_space<vmem>> -> memref<1x80xi32, #tpu.memory_space<vmem>>
        %dma_start3A_114 = tpu.memref_squeeze %dma_start3A_113 : memref<1x80xi32, #tpu.memory_space<vmem>> -> memref<80xi32, #tpu.memory_space<vmem>>
        %dma_start3A_115 = arith.constant 0 : i32
        %dma_start3A_116 = arith.constant 0 : i32
        %dma_start3A_117 = tpu.memref_slice %arg12[%dma_start3A_115, %dma_start3A_116] : memref<10240x128xf32, #tpu.memory_space<vmem_shared>> -> memref<10240x128xf32, #tpu.memory_space<vmem_shared>>
        tpu.enqueue_indirect_dma source(%dma_start3A_111 : memref<80x128xf32, #tpu.memory_space<vmem>>) target(%dma_start3A_117 : memref<10240x128xf32, #tpu.memory_space<vmem_shared>>) offsets(%dma_start3A_114 : memref<80xi32, #tpu.memory_space<vmem>>) semaphore(%run_scoped3A_107 : memref<!tpu.dma_semaphore, #tpu.memory_space<semaphore_mem>>) {add = true}
        %dma_wait3A_118 = arith.constant 0 : i32
        %dma_wait3A_119 = arith.constant 0 : i32
        %dma_wait3A_120 = tpu.memref_slice %arg10[%rem3A_84, %dma_wait3A_118, %dma_wait3A_119] : memref<2x80x128xf32, #tpu.memory_space<vmem>> -> memref<1x80x128xf32, #tpu.memory_space<vmem>>
        %dma_wait3A_121 = tpu.memref_squeeze %dma_wait3A_120 : memref<1x80x128xf32, #tpu.memory_space<vmem>> -> memref<80x128xf32, #tpu.memory_space<vmem>>
        %dma_wait3A_122 = arith.constant 0 : i32
        %dma_wait3A_123 = tpu.memref_slice %arg9[%while3A_83, %dma_wait3A_122] : memref<125x80xi32, #tpu.memory_space<vmem>> -> memref<1x80xi32, #tpu.memory_space<vmem>>
        %dma_wait3A_124 = tpu.memref_squeeze %dma_wait3A_123 : memref<1x80xi32, #tpu.memory_space<vmem>> -> memref<80xi32, #tpu.memory_space<vmem>>
        %dma_wait3A_125 = arith.constant 0 : i32
        %dma_wait3A_126 = arith.constant 0 : i32
        %dma_wait3A_127 = tpu.memref_slice %arg12[%dma_wait3A_125, %dma_wait3A_126] : memref<10240x128xf32, #tpu.memory_space<vmem_shared>> -> memref<10240x128xf32, #tpu.memory_space<vmem_shared>>
        tpu.wait_indirect_dma semaphore(%run_scoped3A_107 : memref<!tpu.dma_semaphore, #tpu.memory_space<semaphore_mem>>) src(%dma_wait3A_121 : memref<80x128xf32, #tpu.memory_space<vmem>>) dst(%dma_wait3A_127 : memref<10240x128xf32, #tpu.memory_space<vmem_shared>>)
        tpu.yield
      }) : () -> ()
      %add3A_95 = arith.constant 2 : i32
      %add3A_96 = arith.addi %while3A_83, %add3A_95 : i32
      %mul3A_97 = arith.constant 80 : i32
      %mul3A_98 = arith.muli %add3A_96, %mul3A_97 : i32
      %dma_start3A_99 = arith.constant 0 : i32
      %dma_start3A_100 = arith.constant 0 : i32
      %dma_start3A_101 = tpu.memref_slice %arg10[%rem3A_84, %dma_start3A_99, %dma_start3A_100] : memref<2x80x128xf32, #tpu.memory_space<vmem>> -> memref<1x80x128xf32, #tpu.memory_space<vmem>>
      %dma_start3A_102 = tpu.memref_squeeze %dma_start3A_101 : memref<1x80x128xf32, #tpu.memory_space<vmem>> -> memref<80x128xf32, #tpu.memory_space<vmem>>
      %dma_start3A_103 = tpu.memref_slice %arg8[%mul3A_98] : memref<10000xi32, #tpu.memory_space<vmem>> -> memref<80xi32, #tpu.memory_space<vmem>>
      %dma_start3A_104 = arith.constant 0 : i32
      %dma_start3A_105 = arith.constant 0 : i32
      %dma_start3A_106 = tpu.memref_slice %arg2[%dma_start3A_104, %dma_start3A_105] : memref<10000x128xf32, #tpu.memory_space<hbm>> -> memref<10000x128xf32, #tpu.memory_space<hbm>>
      tpu.enqueue_indirect_dma source(%dma_start3A_106 : memref<10000x128xf32, #tpu.memory_space<hbm>>) target(%dma_start3A_102 : memref<80x128xf32, #tpu.memory_space<vmem>>) offsets(%dma_start3A_103 : memref<80xi32, #tpu.memory_space<vmem>>) semaphore(%arg13 : memref<!tpu.dma_semaphore, #tpu.memory_space<semaphore_mem>>)
    }
    %while3A_55 = arith.constant 1 : i32
    scf.for %while3A_83 = %while3A_53 to %while3A_49 step %while3A_55  : i32 {
      %rem3A = arith.constant 2 : i32
      %rem3A_84 = arith.remsi %while3A_83, %rem3A : i32
      %mul3A_85 = arith.constant 80 : i32
      %mul3A_86 = arith.muli %while3A_83, %mul3A_85 : i32
      %dma_wait3A_87 = arith.constant 0 : i32
      %dma_wait3A_88 = arith.constant 0 : i32
      %dma_wait3A_89 = tpu.memref_slice %arg10[%rem3A_84, %dma_wait3A_87, %dma_wait3A_88] : memref<2x80x128xf32, #tpu.memory_space<vmem>> -> memref<1x80x128xf32, #tpu.memory_space<vmem>>
      %dma_wait3A_90 = tpu.memref_squeeze %dma_wait3A_89 : memref<1x80x128xf32, #tpu.memory_space<vmem>> -> memref<80x128xf32, #tpu.memory_space<vmem>>
      %dma_wait3A_91 = tpu.memref_slice %arg8[%mul3A_86] : memref<10000xi32, #tpu.memory_space<vmem>> -> memref<80xi32, #tpu.memory_space<vmem>>
      %dma_wait3A_92 = arith.constant 0 : i32
      %dma_wait3A_93 = arith.constant 0 : i32
      %dma_wait3A_94 = tpu.memref_slice %arg2[%dma_wait3A_92, %dma_wait3A_93] : memref<10000x128xf32, #tpu.memory_space<hbm>> -> memref<10000x128xf32, #tpu.memory_space<hbm>>
      tpu.wait_indirect_dma semaphore(%arg13 : memref<!tpu.dma_semaphore, #tpu.memory_space<semaphore_mem>>) src(%dma_wait3A_94 : memref<10000x128xf32, #tpu.memory_space<hbm>>) dst(%dma_wait3A_90 : memref<80x128xf32, #tpu.memory_space<vmem>>)
      "tpu.region"() ({
        %run_scoped3A_107 = tpu.sem_alloc : memref<!tpu.dma_semaphore, #tpu.memory_space<semaphore_mem>>
        %dma_start3A_108 = arith.constant 0 : i32
        %dma_start3A_109 = arith.constant 0 : i32
        %dma_start3A_110 = tpu.memref_slice %arg10[%rem3A_84, %dma_start3A_108, %dma_start3A_109] : memref<2x80x128xf32, #tpu.memory_space<vmem>> -> memref<1x80x128xf32, #tpu.memory_space<vmem>>
        %dma_start3A_111 = tpu.memref_squeeze %dma_start3A_110 : memref<1x80x128xf32, #tpu.memory_space<vmem>> -> memref<80x128xf32, #tpu.memory_space<vmem>>
        %dma_start3A_112 = arith.constant 0 : i32
        %dma_start3A_113 = tpu.memref_slice %arg9[%while3A_83, %dma_start3A_112] : memref<125x80xi32, #tpu.memory_space<vmem>> -> memref<1x80xi32, #tpu.memory_space<vmem>>
        %dma_start3A_114 = tpu.memref_squeeze %dma_start3A_113 : memref<1x80xi32, #tpu.memory_space<vmem>> -> memref<80xi32, #tpu.memory_space<vmem>>
        %dma_start3A_115 = arith.constant 0 : i32
        %dma_start3A_116 = arith.constant 0 : i32
        %dma_start3A_117 = tpu.memref_slice %arg12[%dma_start3A_115, %dma_start3A_116] : memref<10240x128xf32, #tpu.memory_space<vmem_shared>> -> memref<10240x128xf32, #tpu.memory_space<vmem_shared>>
        tpu.enqueue_indirect_dma source(%dma_start3A_111 : memref<80x128xf32, #tpu.memory_space<vmem>>) target(%dma_start3A_117 : memref<10240x128xf32, #tpu.memory_space<vmem_shared>>) offsets(%dma_start3A_114 : memref<80xi32, #tpu.memory_space<vmem>>) semaphore(%run_scoped3A_107 : memref<!tpu.dma_semaphore, #tpu.memory_space<semaphore_mem>>) {add = true}
        %dma_wait3A_118 = arith.constant 0 : i32
        %dma_wait3A_119 = arith.constant 0 : i32
        %dma_wait3A_120 = tpu.memref_slice %arg10[%rem3A_84, %dma_wait3A_118, %dma_wait3A_119] : memref<2x80x128xf32, #tpu.memory_space<vmem>> -> memref<1x80x128xf32, #tpu.memory_space<vmem>>
        %dma_wait3A_121 = tpu.memref_squeeze %dma_wait3A_120 : memref<1x80x128xf32, #tpu.memory_space<vmem>> -> memref<80x128xf32, #tpu.memory_space<vmem>>
        %dma_wait3A_122 = arith.constant 0 : i32
        %dma_wait3A_123 = tpu.memref_slice %arg9[%while3A_83, %dma_wait3A_122] : memref<125x80xi32, #tpu.memory_space<vmem>> -> memref<1x80xi32, #tpu.memory_space<vmem>>
        %dma_wait3A_124 = tpu.memref_squeeze %dma_wait3A_123 : memref<1x80xi32, #tpu.memory_space<vmem>> -> memref<80xi32, #tpu.memory_space<vmem>>
        %dma_wait3A_125 = arith.constant 0 : i32
        %dma_wait3A_126 = arith.constant 0 : i32
        %dma_wait3A_127 = tpu.memref_slice %arg12[%dma_wait3A_125, %dma_wait3A_126] : memref<10240x128xf32, #tpu.memory_space<vmem_shared>> -> memref<10240x128xf32, #tpu.memory_space<vmem_shared>>
        tpu.wait_indirect_dma semaphore(%run_scoped3A_107 : memref<!tpu.dma_semaphore, #tpu.memory_space<semaphore_mem>>) src(%dma_wait3A_121 : memref<80x128xf32, #tpu.memory_space<vmem>>) dst(%dma_wait3A_127 : memref<10240x128xf32, #tpu.memory_space<vmem_shared>>)
        tpu.yield
      }) : () -> ()
      %add3A_95 = arith.constant 2 : i32
      %add3A_96 = arith.addi %while3A_83, %add3A_95 : i32
      %mul3A_97 = arith.constant 80 : i32
      %mul3A_98 = arith.muli %add3A_96, %mul3A_97 : i32
      %dma_start3A_99 = arith.constant 0 : i32
      %dma_start3A_100 = arith.constant 0 : i32
      %dma_start3A_101 = tpu.memref_slice %arg10[%rem3A_84, %dma_start3A_99, %dma_start3A_100] : memref<2x80x128xf32, #tpu.memory_space<vmem>> -> memref<1x80x128xf32, #tpu.memory_space<vmem>>
      %dma_start3A_102 = tpu.memref_squeeze %dma_start3A_101 : memref<1x80x128xf32, #tpu.memory_space<vmem>> -> memref<80x128xf32, #tpu.memory_space<vmem>>
      %dma_start3A_103 = tpu.memref_slice %arg8[%mul3A_98] : memref<10000xi32, #tpu.memory_space<vmem>> -> memref<80xi32, #tpu.memory_space<vmem>>
      %dma_start3A_104 = arith.constant 0 : i32
      %dma_start3A_105 = arith.constant 0 : i32
      %dma_start3A_106 = tpu.memref_slice %arg2[%dma_start3A_104, %dma_start3A_105] : memref<10000x128xf32, #tpu.memory_space<hbm>> -> memref<10000x128xf32, #tpu.memory_space<hbm>>
      tpu.enqueue_indirect_dma source(%dma_start3A_106 : memref<10000x128xf32, #tpu.memory_space<hbm>>) target(%dma_start3A_102 : memref<80x128xf32, #tpu.memory_space<vmem>>) offsets(%dma_start3A_103 : memref<80xi32, #tpu.memory_space<vmem>>) semaphore(%arg13 : memref<!tpu.dma_semaphore, #tpu.memory_space<semaphore_mem>>)
    }
    %dma_wait3A = arith.constant 1 : i32
    %dma_wait3A_56 = arith.constant 0 : i32
    %dma_wait3A_57 = arith.constant 0 : i32
    %dma_wait3A_58 = tpu.memref_slice %arg10[%dma_wait3A, %dma_wait3A_56, %dma_wait3A_57] : memref<2x80x128xf32, #tpu.memory_space<vmem>> -> memref<1x80x128xf32, #tpu.memory_space<vmem>>
    %dma_wait3A_59 = tpu.memref_squeeze %dma_wait3A_58 : memref<1x80x128xf32, #tpu.memory_space<vmem>> -> memref<80x128xf32, #tpu.memory_space<vmem>>
    %dma_wait3A_60 = arith.constant 9840 : i32
    %dma_wait3A_61 = tpu.memref_slice %arg8[%dma_wait3A_60] : memref<10000xi32, #tpu.memory_space<vmem>> -> memref<80xi32, #tpu.memory_space<vmem>>
    %dma_wait3A_62 = arith.constant 0 : i32
    %dma_wait3A_63 = arith.constant 0 : i32
    %dma_wait3A_64 = tpu.memref_slice %arg2[%dma_wait3A_62, %dma_wait3A_63] : memref<10000x128xf32, #tpu.memory_space<hbm>> -> memref<10000x128xf32, #tpu.memory_space<hbm>>
    tpu.wait_indirect_dma semaphore(%arg13 : memref<!tpu.dma_semaphore, #tpu.memory_space<semaphore_mem>>) src(%dma_wait3A_64 : memref<10000x128xf32, #tpu.memory_space<hbm>>) dst(%dma_wait3A_59 : memref<80x128xf32, #tpu.memory_space<vmem>>)
    %run_scoped3A = arith.constant 1 : i32
    %run_scoped3A_65 = arith.constant 123 : i32
    "tpu.region"() ({
      %run_scoped3A_83 = tpu.sem_alloc : memref<!tpu.dma_semaphore, #tpu.memory_space<semaphore_mem>>
      %dma_start3A_84 = arith.constant 0 : i32
      %dma_start3A_85 = arith.constant 0 : i32
      %dma_start3A_86 = tpu.memref_slice %arg10[%run_scoped3A, %dma_start3A_84, %dma_start3A_85] : memref<2x80x128xf32, #tpu.memory_space<vmem>> -> memref<1x80x128xf32, #tpu.memory_space<vmem>>
      %dma_start3A_87 = tpu.memref_squeeze %dma_start3A_86 : memref<1x80x128xf32, #tpu.memory_space<vmem>> -> memref<80x128xf32, #tpu.memory_space<vmem>>
      %dma_start3A_88 = arith.constant 0 : i32
      %dma_start3A_89 = tpu.memref_slice %arg9[%run_scoped3A_65, %dma_start3A_88] : memref<125x80xi32, #tpu.memory_space<vmem>> -> memref<1x80xi32, #tpu.memory_space<vmem>>
      %dma_start3A_90 = tpu.memref_squeeze %dma_start3A_89 : memref<1x80xi32, #tpu.memory_space<vmem>> -> memref<80xi32, #tpu.memory_space<vmem>>
      %dma_start3A_91 = arith.constant 0 : i32
      %dma_start3A_92 = arith.constant 0 : i32
      %dma_start3A_93 = tpu.memref_slice %arg12[%dma_start3A_91, %dma_start3A_92] : memref<10240x128xf32, #tpu.memory_space<vmem_shared>> -> memref<10240x128xf32, #tpu.memory_space<vmem_shared>>
      tpu.enqueue_indirect_dma source(%dma_start3A_87 : memref<80x128xf32, #tpu.memory_space<vmem>>) target(%dma_start3A_93 : memref<10240x128xf32, #tpu.memory_space<vmem_shared>>) offsets(%dma_start3A_90 : memref<80xi32, #tpu.memory_space<vmem>>) semaphore(%run_scoped3A_83 : memref<!tpu.dma_semaphore, #tpu.memory_space<semaphore_mem>>) {add = true}
      %dma_wait3A_94 = arith.constant 0 : i32
      %dma_wait3A_95 = arith.constant 0 : i32
      %dma_wait3A_96 = tpu.memref_slice %arg10[%run_scoped3A, %dma_wait3A_94, %dma_wait3A_95] : memref<2x80x128xf32, #tpu.memory_space<vmem>> -> memref<1x80x128xf32, #tpu.memory_space<vmem>>
      %dma_wait3A_97 = tpu.memref_squeeze %dma_wait3A_96 : memref<1x80x128xf32, #tpu.memory_space<vmem>> -> memref<80x128xf32, #tpu.memory_space<vmem>>
      %dma_wait3A_98 = arith.constant 0 : i32
      %dma_wait3A_99 = tpu.memref_slice %arg9[%run_scoped3A_65, %dma_wait3A_98] : memref<125x80xi32, #tpu.memory_space<vmem>> -> memref<1x80xi32, #tpu.memory_space<vmem>>
      %dma_wait3A_100 = tpu.memref_squeeze %dma_wait3A_99 : memref<1x80xi32, #tpu.memory_space<vmem>> -> memref<80xi32, #tpu.memory_space<vmem>>
      %dma_wait3A_101 = arith.constant 0 : i32
      %dma_wait3A_102 = arith.constant 0 : i32
      %dma_wait3A_103 = tpu.memref_slice %arg12[%dma_wait3A_101, %dma_wait3A_102] : memref<10240x128xf32, #tpu.memory_space<vmem_shared>> -> memref<10240x128xf32, #tpu.memory_space<vmem_shared>>
      tpu.wait_indirect_dma semaphore(%run_scoped3A_83 : memref<!tpu.dma_semaphore, #tpu.memory_space<semaphore_mem>>) src(%dma_wait3A_97 : memref<80x128xf32, #tpu.memory_space<vmem>>) dst(%dma_wait3A_103 : memref<10240x128xf32, #tpu.memory_space<vmem_shared>>)
      tpu.yield
    }) : () -> ()
    %dma_wait3A_66 = arith.constant 0 : i32
    %dma_wait3A_67 = arith.constant 0 : i32
    %dma_wait3A_68 = arith.constant 0 : i32
    %dma_wait3A_69 = tpu.memref_slice %arg10[%dma_wait3A_66, %dma_wait3A_67, %dma_wait3A_68] : memref<2x80x128xf32, #tpu.memory_space<vmem>> -> memref<1x80x128xf32, #tpu.memory_space<vmem>>
    %dma_wait3A_70 = tpu.memref_squeeze %dma_wait3A_69 : memref<1x80x128xf32, #tpu.memory_space<vmem>> -> memref<80x128xf32, #tpu.memory_space<vmem>>
    %dma_wait3A_71 = arith.constant 9920 : i32
    %dma_wait3A_72 = tpu.memref_slice %arg8[%dma_wait3A_71] : memref<10000xi32, #tpu.memory_space<vmem>> -> memref<80xi32, #tpu.memory_space<vmem>>
    %dma_wait3A_73 = arith.constant 0 : i32
    %dma_wait3A_74 = arith.constant 0 : i32
    %dma_wait3A_75 = tpu.memref_slice %arg2[%dma_wait3A_73, %dma_wait3A_74] : memref<10000x128xf32, #tpu.memory_space<hbm>> -> memref<10000x128xf32, #tpu.memory_space<hbm>>
    tpu.wait_indirect_dma semaphore(%arg13 : memref<!tpu.dma_semaphore, #tpu.memory_space<semaphore_mem>>) src(%dma_wait3A_75 : memref<10000x128xf32, #tpu.memory_space<hbm>>) dst(%dma_wait3A_70 : memref<80x128xf32, #tpu.memory_space<vmem>>)
    %run_scoped3A_76 = arith.constant 0 : i32
    %run_scoped3A_77 = arith.constant 124 : i32
    "tpu.region"() ({
      %run_scoped3A_83 = tpu.sem_alloc : memref<!tpu.dma_semaphore, #tpu.memory_space<semaphore_mem>>
      %dma_start3A_84 = arith.constant 0 : i32
      %dma_start3A_85 = arith.constant 0 : i32
      %dma_start3A_86 = tpu.memref_slice %arg10[%run_scoped3A_76, %dma_start3A_84, %dma_start3A_85] : memref<2x80x128xf32, #tpu.memory_space<vmem>> -> memref<1x80x128xf32, #tpu.memory_space<vmem>>
      %dma_start3A_87 = tpu.memref_squeeze %dma_start3A_86 : memref<1x80x128xf32, #tpu.memory_space<vmem>> -> memref<80x128xf32, #tpu.memory_space<vmem>>
      %dma_start3A_88 = arith.constant 0 : i32
      %dma_start3A_89 = tpu.memref_slice %arg9[%run_scoped3A_77, %dma_start3A_88] : memref<125x80xi32, #tpu.memory_space<vmem>> -> memref<1x80xi32, #tpu.memory_space<vmem>>
      %dma_start3A_90 = tpu.memref_squeeze %dma_start3A_89 : memref<1x80xi32, #tpu.memory_space<vmem>> -> memref<80xi32, #tpu.memory_space<vmem>>
      %dma_start3A_91 = arith.constant 0 : i32
      %dma_start3A_92 = arith.constant 0 : i32
      %dma_start3A_93 = tpu.memref_slice %arg12[%dma_start3A_91, %dma_start3A_92] : memref<10240x128xf32, #tpu.memory_space<vmem_shared>> -> memref<10240x128xf32, #tpu.memory_space<vmem_shared>>
      tpu.enqueue_indirect_dma source(%dma_start3A_87 : memref<80x128xf32, #tpu.memory_space<vmem>>) target(%dma_start3A_93 : memref<10240x128xf32, #tpu.memory_space<vmem_shared>>) offsets(%dma_start3A_90 : memref<80xi32, #tpu.memory_space<vmem>>) semaphore(%run_scoped3A_83 : memref<!tpu.dma_semaphore, #tpu.memory_space<semaphore_mem>>) {add = true}
      %dma_wait3A_94 = arith.constant 0 : i32
      %dma_wait3A_95 = arith.constant 0 : i32
      %dma_wait3A_96 = tpu.memref_slice %arg10[%run_scoped3A_76, %dma_wait3A_94, %dma_wait3A_95] : memref<2x80x128xf32, #tpu.memory_space<vmem>> -> memref<1x80x128xf32, #tpu.memory_space<vmem>>
      %dma_wait3A_97 = tpu.memref_squeeze %dma_wait3A_96 : memref<1x80x128xf32, #tpu.memory_space<vmem>> -> memref<80x128xf32, #tpu.memory_space<vmem>>
      %dma_wait3A_98 = arith.constant 0 : i32
      %dma_wait3A_99 = tpu.memref_slice %arg9[%run_scoped3A_77, %dma_wait3A_98] : memref<125x80xi32, #tpu.memory_space<vmem>> -> memref<1x80xi32, #tpu.memory_space<vmem>>
      %dma_wait3A_100 = tpu.memref_squeeze %dma_wait3A_99 : memref<1x80xi32, #tpu.memory_space<vmem>> -> memref<80xi32, #tpu.memory_space<vmem>>
      %dma_wait3A_101 = arith.constant 0 : i32
      %dma_wait3A_102 = arith.constant 0 : i32
      %dma_wait3A_103 = tpu.memref_slice %arg12[%dma_wait3A_101, %dma_wait3A_102] : memref<10240x128xf32, #tpu.memory_space<vmem_shared>> -> memref<10240x128xf32, #tpu.memory_space<vmem_shared>>
      tpu.wait_indirect_dma semaphore(%run_scoped3A_83 : memref<!tpu.dma_semaphore, #tpu.memory_space<semaphore_mem>>) src(%dma_wait3A_97 : memref<80x128xf32, #tpu.memory_space<vmem>>) dst(%dma_wait3A_103 : memref<10240x128xf32, #tpu.memory_space<vmem_shared>>)
      tpu.yield
    }) : () -> ()
    %barrier3A_78 = arith.constant 0 : index
    tpu.barrier barrier_id(%barrier3A_78)
    %mul3A_79 = arith.constant 640 : i32
    %mul3A_80 = arith.muli %arg1, %mul3A_79 : i32
    %mul3A_81 = arith.constant 640 : i32
    %mul3A_82 = arith.muli %arg1, %mul3A_81 : i32
    "tpu.region"() ({
      %run_scoped3A_83 = tpu.sem_alloc : memref<!tpu.dma_semaphore, #tpu.memory_space<semaphore_mem>>
      %dma_start3A_84 = arith.constant 0 : i32
      %dma_start3A_85 = tpu.memref_slice %arg7[%arg0, %mul3A_82, %dma_start3A_84] : memref<2x10240x128xf32, #tpu.memory_space<hbm>> -> memref<1x640x128xf32, #tpu.memory_space<hbm>>
      %dma_start3A_86 = tpu.memref_squeeze %dma_start3A_85 : memref<1x640x128xf32, #tpu.memory_space<hbm>> -> memref<640x128xf32, #tpu.memory_space<hbm>>
      %dma_start3A_87 = arith.constant 0 : i32
      %dma_start3A_88 = tpu.memref_slice %arg12[%mul3A_80, %dma_start3A_87] : memref<10240x128xf32, #tpu.memory_space<vmem_shared>> -> memref<640x128xf32, #tpu.memory_space<vmem_shared>>
      tpu.enqueue_dma source(%dma_start3A_88 : memref<640x128xf32, #tpu.memory_space<vmem_shared>>) target(%dma_start3A_86 : memref<640x128xf32, #tpu.memory_space<hbm>>) target_semaphore(%run_scoped3A_83 : memref<!tpu.dma_semaphore, #tpu.memory_space<semaphore_mem>>)
      %dma_wait3A_89 = arith.constant 0 : i32
      %dma_wait3A_90 = tpu.memref_slice %arg7[%arg0, %mul3A_82, %dma_wait3A_89] : memref<2x10240x128xf32, #tpu.memory_space<hbm>> -> memref<1x640x128xf32, #tpu.memory_space<hbm>>
      %dma_wait3A_91 = tpu.memref_squeeze %dma_wait3A_90 : memref<1x640x128xf32, #tpu.memory_space<hbm>> -> memref<640x128xf32, #tpu.memory_space<hbm>>
      %dma_wait3A_92 = arith.constant 0 : i32
      %dma_wait3A_93 = tpu.memref_slice %arg12[%mul3A_80, %dma_wait3A_92] : memref<10240x128xf32, #tpu.memory_space<vmem_shared>> -> memref<640x128xf32, #tpu.memory_space<vmem_shared>>
      tpu.wait_dma2 semaphore(%run_scoped3A_83 : memref<!tpu.dma_semaphore, #tpu.memory_space<semaphore_mem>>) src(%dma_wait3A_93 : memref<640x128xf32, #tpu.memory_space<vmem_shared>>) dst(%dma_wait3A_91 : memref<640x128xf32, #tpu.memory_space<hbm>>)
      tpu.yield
    }) : () -> ()
    return
  }
}

module attributes {stable_mosaic.version = 14 : i64} {
  func.func @_matmul_body(%arg0: memref<10000x128xf32, #tpu.memory_space<vmem>>, %arg1: memref<128x128xf32, #tpu.memory_space<vmem>>, %arg2: memref<10000x128xf32, #tpu.memory_space<vmem>>) attributes {dimension_semantics = [], scalar_prefetch = 0 : i64, scratch_operands = 0 : i64, tpu.core_type = #tpu.core_type<tc>} {
    %get3A = arith.constant 0 : index
    %get3A_0 = arith.constant 0 : index
    %get3A_1 = vector.load %arg0[%get3A, %get3A_0] : memref<10000x128xf32, #tpu.memory_space<vmem>>, vector<10000x128xf32>
    %get3A_2 = arith.constant 0 : index
    %get3A_3 = arith.constant 0 : index
    %get3A_4 = vector.load %arg1[%get3A_2, %get3A_3] : memref<128x128xf32, #tpu.memory_space<vmem>>, vector<128x128xf32>
    %dot_general3A = arith.constant dense<0.000000e+00> : vector<10000x128xf32>
    %dot_general3A_5 = tpu.matmul %get3A_1, %get3A_4, %dot_general3A {dimension_numbers = #tpu.dot_dimension_numbers<[1], [0], [0], [1], [0, 0, 1, 1], [], []>, transpose_lhs_hint = false} : vector<10000x128xf32>, vector<128x128xf32>, vector<10000x128xf32> -> vector<10000x128xf32>
    %swap3A = arith.constant 0 : index
    %swap3A_6 = arith.constant 0 : index
    %swap3A_7 = vector.load %arg2[%swap3A, %swap3A_6] : memref<10000x128xf32, #tpu.memory_space<vmem>>, vector<10000x128xf32>
    tpu.vector_store %arg2[%swap3A, %swap3A_6], %dot_general3A_5 {strides = array<i32>} : memref<10000x128xf32, #tpu.memory_space<vmem>>, vector<10000x128xf32>,
    return
  }
}

module attributes {stable_mosaic.version = 14 : i64} {
  func.func @_head_body(%arg0: memref<2x10240x128xf32, #tpu.memory_space<vmem>>, %arg1: memref<32x80x128xf32, #tpu.memory_space<vmem>>, %arg2: memref<128xf32, #tpu.memory_space<vmem>>, %arg3: memref<257x1xf32, #tpu.memory_space<vmem>>, %arg4: memref<1xf32, #tpu.memory_space<vmem>>, %arg5: memref<10000xf32, #tpu.memory_space<vmem>>, %arg6: memref<10000xf32, #tpu.memory_space<vmem>>) attributes {dimension_semantics = [], scalar_prefetch = 0 : i64, scratch_operands = 0 : i64, tpu.core_type = #tpu.core_type<tc>} {
    %get3A = arith.constant 0 : index
    %get3A_0 = arith.constant 0 : index
    %get3A_1 = arith.constant 0 : index
    %get3A_2 = vector.load %arg0[%get3A, %get3A_0, %get3A_1] : memref<2x10240x128xf32, #tpu.memory_space<vmem>>, vector<1x10240x128xf32>
    %get3A_3 = vector.shape_cast %get3A_2 : vector<1x10240x128xf32> to vector<10240x128xf32>
    %get3A_4 = arith.constant 1 : index
    %get3A_5 = arith.constant 0 : index
    %get3A_6 = arith.constant 0 : index
    %get3A_7 = vector.load %arg0[%get3A_4, %get3A_5, %get3A_6] : memref<2x10240x128xf32, #tpu.memory_space<vmem>>, vector<1x10240x128xf32>
    %get3A_8 = vector.shape_cast %get3A_7 : vector<1x10240x128xf32> to vector<10240x128xf32>
    %add3A = arith.addf %get3A_3, %get3A_8 : vector<10240x128xf32>
    %slice3A = vector.extract_strided_slice %add3A {offsets = [0, 0], sizes = [10000, 128], strides = [1, 1]} : vector<10240x128xf32> to vector<10000x128xf32>
    %get3A_9 = arith.constant 0 : index
    %get3A_10 = arith.constant 0 : index
    %get3A_11 = arith.constant 0 : index
    %get3A_12 = vector.load %arg1[%get3A_9, %get3A_10, %get3A_11] : memref<32x80x128xf32, #tpu.memory_space<vmem>>, vector<32x80x128xf32>
    %reshape3A = vector.shape_cast %get3A_12 : vector<32x80x128xf32> to vector<32x10240xf32>
    %reduce_sum3A = arith.constant dense<0.000000e+00> : vector<10240xf32>
    %reduce_sum3A_13 = vector.multi_reduction <add>, %reshape3A, %reduce_sum3A [0] : vector<32x10240xf32> to vector<10240xf32>
    %slice3A_14 = vector.extract_strided_slice %reduce_sum3A_13 {offsets = [0], sizes = [10000], strides = [1]} : vector<10240xf32> to vector<10000xf32>
    %max3A = arith.constant 1.000000e+00 : f32
    %max3A_15 = vector.broadcast %max3A : f32 to vector<10000xf32>
    %max3A_16 = arith.maximumf %slice3A_14, %max3A_15 : vector<10000xf32>
    %broadcast_in_dim3A = vector.shape_cast %max3A_16 : vector<10000xf32> to vector<10000x1xf32>
    %div3A = vector.broadcast %broadcast_in_dim3A : vector<10000x1xf32> to vector<10000x128xf32>
    %div3A_17 = arith.divf %slice3A, %div3A : vector<10000x128xf32>
    %get3A_18 = arith.constant 0 : index
    %get3A_19 = vector.load %arg2[%get3A_18] : memref<128xf32, #tpu.memory_space<vmem>>, vector<128xf32>
    %broadcast_in_dim3A_20 = vector.shape_cast %get3A_19 : vector<128xf32> to vector<1x128xf32>
    %add3A_21 = vector.broadcast %broadcast_in_dim3A_20 : vector<1x128xf32> to vector<10000x128xf32>
    %add3A_22 = arith.addf %div3A_17, %add3A_21 : vector<10000x128xf32>
    %logistic3A = arith.negf %add3A_22 : vector<10000x128xf32>
    %logistic3A_23 = math.exp %logistic3A : vector<10000x128xf32>
    %logistic3A_24 = arith.constant 1.000000e+00 : f32
    %logistic3A_25 = vector.broadcast %logistic3A_24 : f32 to vector<10000x128xf32>
    %logistic3A_26 = arith.addf %logistic3A_25, %logistic3A_23 : vector<10000x128xf32>
    %logistic3A_27 = arith.divf %logistic3A_25, %logistic3A_26 : vector<10000x128xf32>
    %get3A_28 = arith.constant 0 : index
    %get3A_29 = arith.constant 0 : index
    %get3A_30 = vector.load %arg3[%get3A_28, %get3A_29] : memref<257x1xf32, #tpu.memory_space<vmem>>, vector<128x1xf32>
    %get3A_31 = arith.constant 128 : index
    %get3A_32 = arith.constant 0 : index
    %get3A_33 = vector.load %arg3[%get3A_31, %get3A_32] : memref<257x1xf32, #tpu.memory_space<vmem>>, vector<128x1xf32>
    %concatenate3A = tpu.concatenate %get3A_30, %get3A_33 in 1 : vector<128x1xf32>, vector<128x1xf32> -> vector<128x2xf32>
    %dot_general3A = arith.constant dense<0.000000e+00> : vector<10000x2xf32>
    %dot_general3A_34 = tpu.matmul %logistic3A_27, %concatenate3A, %dot_general3A {dimension_numbers = #tpu.dot_dimension_numbers<[1], [0], [0], [1], [0, 0, 1, 1], [], []>, transpose_lhs_hint = false} : vector<10000x128xf32>, vector<128x2xf32>, vector<10000x2xf32> -> vector<10000x2xf32>
    %slice3A_35 = vector.extract_strided_slice %dot_general3A_34 {offsets = [0, 0], sizes = [10000, 1], strides = [1, 1]} : vector<10000x2xf32> to vector<10000x1xf32>
    %squeeze3A = vector.shape_cast %slice3A_35 : vector<10000x1xf32> to vector<10000xf32>
    %get3A_36 = arith.constant 0 : index
    %get3A_37 = vector.load %arg4[%get3A_36] : memref<1xf32, #tpu.memory_space<vmem>>, vector<1xf32>
    %get3A_38 = vector.extract %get3A_37[0] : f32 from vector<1xf32>
    %add3A_39 = vector.broadcast %get3A_38 : f32 to vector<10000xf32>
    %add3A_40 = arith.addf %squeeze3A, %add3A_39 : vector<10000xf32>
    %swap3A = arith.constant 0 : index
    %swap3A_41 = vector.load %arg5[%swap3A] : memref<10000xf32, #tpu.memory_space<vmem>>, vector<10000xf32>
    tpu.vector_store %arg5[%swap3A], %add3A_40 {strides = array<i32>} : memref<10000xf32, #tpu.memory_space<vmem>>, vector<10000xf32>,
    %slice3A_42 = vector.extract_strided_slice %dot_general3A_34 {offsets = [0, 1], sizes = [10000, 1], strides = [1, 1]} : vector<10000x2xf32> to vector<10000x1xf32>
    %squeeze3A_43 = vector.shape_cast %slice3A_42 : vector<10000x1xf32> to vector<10000xf32>
    %swap3A_44 = arith.constant 0 : index
    %swap3A_45 = vector.load %arg6[%swap3A_44] : memref<10000xf32, #tpu.memory_space<vmem>>, vector<10000xf32>
    tpu.vector_store %arg6[%swap3A_44], %squeeze3A_43 {strides = array<i32>} : memref<10000xf32, #tpu.memory_space<vmem>>, vector<10000xf32>,
    return
  }
}

</mosaic_0001>

<sc_bundles>
// kernel: kernel.10.cloned.1.call-start
scs
__scs_entry_jumppad:
0x0: {  	(pc) =	sbr.rel $0x88, $3  }
0x1: {  	(tag) =	ssettag $0x0;
	lr =	simm.s32 $0x1  }
0x2: {  	[smem:$0x3F99] =	sst lr;
	_ =	strace $0xD0000000  }
0x3: {  	_ = 	snop  }
0x4: {  	_ = 	snop  }
0x5: {  	_ = 	snop  }
0x6: {  	_ = 	snop  }
0x7: {  	_ = 	snop  }
__scs_overlays_trampoline_lowered:
0x8: {  	[smem:$0x3FA8] =	sst s0  }
0x9: {  	[smem:$0x3FA9] =	sst s1  }
0xa: {  	[smem:$0x3FAA] =	sst s2  }
0xb: {  	[smem:$0x3FAB] =	sst s3  }
0xc: {  	[smem:$0x3FAC] =	sst s4  }
0xd: {  	[smem:$0x3FAD] =	sst s5  }
0xe: {  	[smem:$0x3FAE] =	sst s6  }
0xf: {  	[smem:$0x3FAF] =	sst s7  }
0x10: {  	[smem:$0x3FB0] =	sst s8  }
0x11: {  	[smem:$0x3FB1] =	sst s9;
	s0 =	simm.s32 @!p0 $0x0  }
0x12: {  	s1 =	sld [smem:$0x3F97];
	s0 =	simm.s32 @p0 $0x1  }
0x13: {  	[smem:$0x3FB2] =	sst s0;
	s0 =	simm.s32 @!p1 $0x0  }
0x14: {  	s2 =	sld [smem:$0x3F96];
	s0 =	simm.s32 @p1 $0x1  }
0x15: {  	[smem:$0x3FB3] =	sst s0;
	s0 =	simm.s32 @!p2 $0x0  }
0x16: {  	s3 =	sld [smem:$0x3FDB];
	s0 =	simm.s32 @p2 $0x1  }
0x17: {  	s4 =	simm.s32 $0x1BF5;
	[smem:$0x3FB5] =	sst s0  }
0x18: {  	s0 =	sld [smem:$0x3F98];
	_ =	swait.ge [sflag:s4], $0x0  }
0x19: {  	s7 =	sld [smem:$0x3F99]  }
0x1a: {  	s8 =	sadd.s32 $0xFFFFE003, lr  }
0x1b: {  	s9 =	sadd.s32 $0xFFFFFEF7, lr;
	s5 =	simm.s32 $0xFFFFFFFF;
	p2 =	slt.u32 s8, $0xFFFFF086  }
0x1c: {  	p1 =	slt.u32 s9, $0xF7A;
	s5 =	simm.s32 @!p2 $0x0  }
0x1d: {  	s5 =	simm.s32 @p1 $0x1;
	p0 =	seq.s32 s7, s2  }
0x1e: {  	s7 =	smul.u32 @!p0 $0xF7A, s2;
	p2 =	seq.s32 @!p0 s5, $0x0  }
0x1f: {  	s9 =	smul.u32 $0xF7A, s1;
	s8 =	simm.s32 @!p0 $0x1BF5;
	p2 =	por !p2, p0  }
0x20: {  	[sflag:s8] =	ssyncset.s32 @!p0 $0xFFFFF086;
	s6 =	sadd.s32 @!p0 s3, s7;
	s7 =	simm.s32 @!p0 $0x108  }
0x21: {  	s3 =	sadd.s32 s3, s9;
	s6 =	sadd.s32 @!p0 $0x88, s6;
	s7 =	simm.s32 @p2 $0x1082  }
0x22: {  	[simem:s7], [sflag:s8] =	dma.local @!p0 [hbm:s6], $0xF7A  }
0x23: {  	s9 =	sor.u32 $0xD0000000, s2;
	s6 =	simm.s32 $0x108;
	_ =	swait.ge @!p0 [sflag:s8], $0x0  }
0x24: {  	s3 =	sadd.s32 $0x88, s3;
	s6 =	simm.s32 @!p1 $0x1082;
	[sflag:s4] =	ssyncset.s32 $0xFFFFF086  }
0x25: {  	[simem:s6], [sflag:s4] =	dma.local [hbm:s3], $0xF7A  }
0x26: {  	[smem:$0x3F99] =	sst s1;
	(tag) =	ssettag s2;
	_ =	strace s9  }
0x27: {  	s1 =	sld [smem:$0x3FA9]  }
0x28: {  	s2 =	sld [smem:$0x3FAA]  }
0x29: {  	s4 =	sld [smem:$0x3FAC]  }
0x2a: {  	p0 =	seq.s32 s5, $0x0;
	s5 =	sld [smem:$0x3FAD]  }
0x2b: {  	s6 =	sld [smem:$0x3FAE]  }
0x2c: {  	s7 =	sld [smem:$0x3FAF]  }
0x2d: {  	s3 =	simm.s32 $0x108;
	s8 =	sld [smem:$0x3FB0]  }
0x2e: {  	s3 =	simm.s32 @!p0 $0x1082;
	s9 =	sld [smem:$0x3FB1]  }
0x2f: {  	lr =	sadd.s32 s0, s3;
	s0 =	sld [smem:$0x3FA8]  }
0x30: {  	s3 =	sld [smem:$0x3FAB]  }
0x31: {  	[smem:$0x3FB4] =	sst s10  }
0x32: {  	s10 =	sld [smem:$0x3FB2];
	_ =	sdelay $0x3  }
0x33: {  	p0 =	seq.s32 s10, $0x1;
	s10 =	sld [smem:$0x3FB4];
	_ =	sdelay $0x3  }
0x34: {  	[smem:$0x3FB4] =	sst s10  }
0x35: {  	s10 =	sld [smem:$0x3FB3];
	_ =	sdelay $0x3  }
0x36: {  	p1 =	seq.s32 s10, $0x1;
	s10 =	sld [smem:$0x3FB4];
	_ =	sdelay $0x3  }
0x37: {  	[smem:$0x3FB4] =	sst s10  }
0x38: {  	s10 =	sld [smem:$0x3FB5]  }
0x39: {  	_ = 	snop;
	(pc) =	sbr.ind lr, $3  }
0x3a: {  	_ = 	snop  }
0x3b: {  	_ = 	snop  }
0x3c: {  	p2 =	seq.s32 s10, $0x1;
	s10 =	sld [smem:$0x3FB4]  }
0x3d: {  	_ =	shalt  }
0x3e: {  	_ =	shalt  }
0x3f: {  	_ =	shalt  }
0x40: {  	_ =	shalt  }
0x41: {  	_ =	shalt  }
0x42: {  	_ =	shalt  }
0x43: {  	_ =	shalt  }
0x44: {  	_ =	shalt  }
0x45: {  	_ =	shalt  }
0x46: {  	_ =	shalt  }
0x47: {  	_ =	shalt  }
0x48: {  	_ =	shalt  }
0x49: {  	_ =	shalt  }
0x4a: {  	_ =	shalt  }
0x4b: {  	_ =	shalt  }
0x4c: {  	_ =	shalt  }
0x4d: {  	_ =	shalt  }
0x4e: {  	_ =	shalt  }
0x4f: {  	_ =	shalt  }
0x50: {  	_ =	shalt  }
0x51: {  	_ =	shalt  }
0x52: {  	_ =	shalt  }
0x53: {  	_ =	shalt  }
0x54: {  	_ =	shalt  }
0x55: {  	_ =	shalt  }
0x56: {  	_ =	shalt  }
0x57: {  	_ =	shalt  }
0x58: {  	_ =	shalt  }
0x59: {  	_ =	shalt  }
0x5a: {  	_ =	shalt  }
0x5b: {  	_ =	shalt  }
0x5c: {  	_ =	shalt  }
0x5d: {  	_ =	shalt  }
0x5e: {  	_ =	shalt  }
0x5f: {  	_ =	shalt  }
0x60: {  	_ =	shalt  }
0x61: {  	_ =	shalt  }
0x62: {  	_ =	shalt  }
0x63: {  	_ =	shalt  }
0x64: {  	_ =	shalt  }
0x65: {  	_ =	shalt  }
0x66: {  	_ =	shalt  }
0x67: {  	_ =	shalt  }
0x68: {  	_ =	shalt  }
0x69: {  	_ =	shalt  }
0x6a: {  	_ =	shalt  }
0x6b: {  	_ =	shalt  }
0x6c: {  	_ =	shalt  }
0x6d: {  	_ =	shalt  }
0x6e: {  	_ =	shalt  }
0x6f: {  	_ =	shalt  }
0x70: {  	_ =	shalt  }
0x71: {  	_ =	shalt  }
0x72: {  	_ =	shalt  }
0x73: {  	_ =	shalt  }
0x74: {  	_ =	shalt  }
0x75: {  	_ =	shalt  }
0x76: {  	_ =	shalt  }
0x77: {  	_ =	shalt  }
0x78: {  	_ =	shalt  }
0x79: {  	_ =	shalt  }
0x7a: {  	_ =	shalt  }
0x7b: {  	_ =	shalt  }
0x7c: {  	_ =	shalt  }
0x7d: {  	_ =	shalt  }
0x7e: {  	_ =	shalt  }
0x7f: {  	_ =	shalt  }
0x80: {  	_ =	shalt  }
0x81: {  	_ =	shalt  }
0x82: {  	_ =	shalt  }
0x83: {  	_ =	shalt  }
0x84: {  	_ =	shalt  }
0x85: {  	_ =	shalt  }
0x86: {  	_ =	shalt  }
0x87: {  	_ =	shalt  }
.Lfunc_end0:
.L_simem_size_0:
called_computation.1_lowered:
.L_overlay_start_0:
0x88: {  	s2 =	sld [smem:$0x3FD9]  }
0x89: {  	s3 =	sld [smem:$0x3FFE];
	_ =	sdelay $0x1  }
0x8a: {  	s1 =	srdreg.scid  }
0x8b: {  	s0 =	sand.u32 $0x1, s1  }
0x8c: {  	s17 =	sshll.u32 s0, $0xA;
	s2 =	sadd.s32 s3, s2  }
0x8d: {  	s2 =	sadd.s32 s2, s17  }
0x8e: {  	[smem:$0x3FC0] =	sst s2  }
0x8f: {  	_ = 	snop  }
0x90: {  	(tm) =	ssettm $0x1  }
0x91: {  	s18 =	sld [smem:$0x3FFB];
	_ =	sdelay $0x3  }
0x92: {  	_ =	strace s18  }
0x93: {  	s2 =	sld [smem:$0x3FFC];
	_ =	sdelay $0x3  }
0x94: {  	_ =	strace s2  }
0x95: {  	s2 =	sld [smem:$0x3FFD];
	_ =	sdelay $0x3  }
0x96: {  	_ =	strace s2  }
0x97: {  	_ =	strace $0x8FFFFFFF  }
0x98: {  	s19 =	sld [smem:$0x3FDB];
	_ =	sdelay $0x1  }
0x99: {  	s20 =	simm.s32 $_scs_section_size  }
0x9a: {  	s4 =	simm.s32 $_size__tile_overlayer_lowered;
	s5 =	simm.s32 $_tile_overlayer_lowered  }
0x9b: {  	s6 =	simm.s32 $0x1BFF;
	s21 =	sshll.u32 s5, $0x1;
	s3 =	sadd.s32 s20, s19  }
0x9c: {  	s22 =	simm.s32 $0x0;
	s4 =	sshll.u32 s4, $0x1;
	s5 =	sadd.s32 s21, s3  }
0x9d: {  	[timem:s22], [sflag:s6] =	dma.local [hbm:s5], s4  }
0x9e: {  	_ =	swait.ge [sflag:s6], s4  }
0x9f: {  	s4 =	ssub.s32 $0x0, s4;
	[sflag:s6] =	ssyncset.done $0x0  }
0xa0: {  	[sflag:s6] =	ssyncadd.s32 s4;
	_ =	sdelay $0x1  }
0xa1: {  	s23 =	simm.s32 $0x1B8B  }
0xa2: {  	_ =	swait.ge [sflag:s23], $0x1  }
0xa3: {  	[sflag:s23] =	ssyncset.done $0x0  }
0xa4: {  	[sflag:s23] =	ssyncadd.s32 $0xFFFFFFFF  }
0xa5: {  	s4 =	sld [smem:$0x0]  }
0xa6: {  	s5 =	sand.u32 $0xFFFFFFFE, s1  }
0xa7: {  	p0 =	sne.s32 s1, s5  }
0xa8: {  	s5 =	sshll.u32 @p0 s5, $0xE  }
0xa9: {  	s5 =	sadd.s32 @p0 $0x11B8D, s5;
	s6 =	sshll.u32 @p0 s4, $0x11  }
0xaa: {  	s5 =	sor.u32 @p0 s6, s5  }
0xab: {  	[sflag:s5] =	ssyncadd.remote.s32 @p0 $0x1;
	_ =	sdelay $0x1  }
0xac: {  	s5 =	simm.s32 @p0 $0x1B8D  }
0xad: {  	_ =	swait.eq @p0 [sflag:s5], $0x1  }
0xae: {  	[sflag:s5] =	ssyncadd.s32 @p0 $0xFFFFFFFF  }
0xaf: {  	s6 =	sshll.u32 @!p0 s1, $0xE  }
0xb0: {  	s6 =	sor.u32 @!p0 $0x4000, s6;
	s5 =	simm.s32 @!p0 $0x1B8D  }
0xb1: {  	s4 =	sshll.u32 @!p0 s4, $0x11;
	s6 =	sadd.s32 @!p0 $0x11B8D, s6;
	_ =	swait.eq @!p0 [sflag:s5], $0x1  }
0xb2: {  	s4 =	sor.u32 @!p0 s4, s6;
	[sflag:s5] =	ssyncadd.s32 @!p0 $0xFFFFFFFF  }
0xb3: {  	s25 =	simm.s32 $0x1B8E;
	s24 =	sld [smem:$0x3FFE];
	[sflag:s4] =	ssyncadd.remote.s32 @!p0 $0x1  }
0xb4: {  	s26 =	simm.s32 $execute0_lowered;
	[smem:$0x3FD2] =	sst s25  }
0xb5: {  	s5 =	sshll.u32 s26, $0x1;
	_ =	strace $0x80000049;
	[dreg:$0x1] =	wrdreg $0xFFFFFFFF  }
0xb6: {  	s28 =	simm.s32 $_size_execute0_lowered;
	s3 =	sadd.s32 s3, s5;
	[dreg:$0x0] =	wrdreg $0x0  }
0xb7: {  	s5 =	sshll.u32 s28, $0x1;
	[dreg:$0x2] =	wrdreg s3  }
0xb8: {  	[dreg:$0x3] =	wrdreg s5  }
0xb9: {  	[dreg:$0x4] =	wrdreg $0xC0  }
0xba: {  	_ =	task [dreg:s22], $0x5FFFF  }
0xbb: {  	[dreg:$0x1] =	wrdreg $0xFFFFFFFF  }
0xbc: {  	[dreg:$0x0] =	wrdreg $0x60  }
0xbd: {  	[dreg:$0x2] =	wrdreg s24  }
0xbe: {  	[dreg:$0x3] =	wrdreg $0xB8000  }
0xbf: {  	[dreg:$0x4] =	wrdreg $0xA  }
0xc0: {  	_ =	task.clear_ibuf [dreg:s22], $0x5FFFF;
	_ =	strace $0x90000049  }
0xc1: {  	s29 =	simm.s32 $0xA;
	_ =	strace $0x8000004B  }
0xc2: {  	_ =	swait.ge [sflag:s29], $0x1  }
0xc3: {  	[sflag:s29] =	ssyncadd.s32 $0xFFFFFFFF  }
0xc4: {  	_ =	strace $0x9000004B  }
0xc5: {  	_ =	sfence  }
0xc6: {  	s30 =	sld [smem:$0x0];
	_ =	sdelay $0x2  }
0xc7: {  	s31 =	sshll.u32 s1, $0xD;
	s1 =	sshrl.u32 s1, $0x2  }
0xc8: {  	s4 =	sand.u32 $0x4000, s31;
	s1 =	sadd.s32 s1, s30  }
0xc9: {  	s0 =	sor.u32 s4, s0;
	s1 =	sshll.u32 s1, $0x11  }
0xca: {  	s0 =	sor.u32 s1, s0  }
0xcb: {  	s0 =	sadd.s32 $0x8F2B, s0  }
0xcc: {  	[sflag:s0] =	ssyncadd.remote.s32 $0x1  }
0xcd: {  	_ =	sfence.sel $0xFFFF  }
0xce: {  	[dreg:$0x0] =	wrdreg $0xFFFFFFFF;
	(pc) =	sbr.abs _section_cstart, $3  }
0xcf: {  	[dreg:$0x1] =	wrdreg $0xFFFFFFFF  }
0xd0: {  	_ =	task.clear_ibuf [dreg:s22], $0x2FFFF;
	_ =	strace $0x9FFFFFFF  }
0xd1: {  	(tm) =	ssettm $0x7FFFFFFF  }
tec
execute0_lowered:
.L_overlay_start_1:
0x0: {  	(tag) =	ssettag $0x1  }
0x1: {  	s0 =	srdreg.scid;
	s1 =	rddreg [dreg:$0x0]  }
0x2: {  	s13 =	stileid.u32;
	s2 =	rddreg [dreg:$0x1];
	s12 =	simm.s32 $0x400  }
0x3: {  	s14 =	simm.s32 $0xB780;
	s21 =	simm.s32 $0x50;
	s22 =	simm.s32 $0x6780  }
0x4: {  	s23 =	simm.s32 $0x8F80;
	s24 =	simm.s32 $0x1;
	s28 =	simm.s32 $0x0  }
0x5: {  	s0 =	sand.u32 $0x1, s0;
	s25 =	sshll.u32 s13, $0x7;
	s8 =	smul.u32 $0x14000, s13  }
0x6: {  	s29 =	smul.u32 $0x50000, s13;
	s31 =	sshll.u32 s13, $0x6;
	s3 =	sshll.u32 s0, $0x4  }
0x7: {  	s7 =	sand.u32 $0x380, s25;
	s26 =	smul.u32 $0x140000, s0;
	s0 =	ssub.s32 $0x2, s0  }
0x8: {  	s15 =	sor.u32 $0x1C02, s31;
	s25 =	simm.s32 $0x6500;
	s5 =	sor.u32 s13, s3  }
0x9: {  	s3 =	simm.s32 $0x0;
	s11 =	sshrl.u32 s0, $0x1;
	s30 =	sshrl.u32 s29, $0x2  }
0xa: {  	s13 =	simm.s32 $0x2;
	s4 =	sshrl.u32 s5, $0x3;
	[smem:$0x7FF] =	sst s3  }
0xb: {  	s5 =	sshll.u32 s5, $0xB;
	s0 =	ssub.s32 s0, s11;
	s11 =	sadd.s32 s30, s2  }
0xc: {  	s6 =	smul.u32 $0x13C00, s4;
	_ =	strace $0x8000004A;
	s4 =	sadd.s32 $0x26600, s1  }
0xd: {  	s10 =	sadd.s32 s5, s1;
	s5 =	sadd.s32 $0x12000, s1;
	s17 =	sadd.s32 $0x4000, s11  }
0xe: {  	s18 =	sadd.s32 $0x8000, s11;
	s19 =	sadd.s32 $0xC000, s11;
	s20 =	sadd.s32 $0x10000, s11  }
0xf: {  	s16 =	sshrl.u32 s11, $0x3;
	s17 =	sshrl.u32 s17, $0x3;
	s18 =	sshrl.u32 s18, $0x3  }
.Ltmp0:
0x10: {  	s19 =	sshrl.u32 s19, $0x3;
	s20 =	sshrl.u32 s20, $0x3;
	(pc) =	sbr.rel .LBB2_1-.Ltmp0, $4  }
0x11: {  	s6 =	sor.u32 s7, s6;
	s7 =	sadd.s32 s8, s26;
	s8 =	sadd.s32 $0x2000, s10  }
0x12: {  	s10 =	smax.u32 s0, $0x1;
	s6 =	sshrl.u32 s6, $0x3;
	s7 =	sshrl.u32 s7, $0x3  }
0x13: {  	s9 =	sadd.s32 s6, s1;
	s6 =	sadd.s32 $0x4D800, s1;
	s1 =	sadd.s32 s7, s1  }
0x14: {  	s26 =	simm.s32 $0x6580;
	s7 =	sadd.s32 $0x1C800, s9;
	s9 =	sadd.s32 $0x4DA00, s1  }
.LBB2_4:
0x15: {  	[tilespmem:s0], [sflag:$0x1] =	stream.indirect.gather [hbm4b:s4+s21], $0x80, s31, s21, $0xb8;
	[tilespmem:$0x1F800] =	vst v63  }
.LBB2_5:
0x16: {  	_ =	swait.ge [sflag:s24], $0x2800  }
0x17: {  	[sflag:s24] =	ssyncset.done $0x0  }
0x18: {  	[sflag:s24] =	ssyncadd.s32 $0xFFFFD800  }
0x19: {  	[spmem:s2] =	stream.indirect.scatter.add.f32 [tilespmem:s23], [sflag:$0x2], $0x80, s25, s21, $0xb8;
	[tilespmem:$0x1F800] =	vst v63  }
0x1a: {  	_ =	swait.ge [sflag:s13], $0x2800  }
0x1b: {  	[sflag:s13] =	ssyncset.done $0x0  }
0x1c: {  	[sflag:s13] =	ssyncadd.s32 $0xFFFFD800  }
0x1d: {  	_ =	swait.ge [sflag:s24], $0x2800  }
0x1e: {  	[sflag:s24] =	ssyncset.done $0x0  }
0x1f: {  	[sflag:s24] =	ssyncadd.s32 $0xFFFFD800  }
0x20: {  	[spmem:s2] =	stream.indirect.scatter.add.f32 [tilespmem:s22], [sflag:$0x2], $0x80, s26, s21, $0xb8;
	[tilespmem:$0x1F800] =	vst v63  }
0x21: {  	_ =	swait.ge [sflag:s13], $0x2800  }
0x22: {  	s28 =	sadd.s32 $0x1, s28;
	[sflag:s13] =	ssyncset.done $0x0  }
0x23: {  	p0 =	sne.s32 s28, s10;
	[sflag:s13] =	ssyncadd.s32 $0xFFFFD800  }
.Ltmp1:
0x24: {  	[bflag:$0x0] =	sbarrier.arrive $0xFFFF;
	(pc) =	sbr.rel @!p0 .LBB2_6-.Ltmp1, $4  }
0x25: {  	[hbm:s9], [sflag:s15] =	dma.local [spmem:s16], $0x2800  }
0x26: {  	_ =	swait.ge [sflag:s13], $0x2800  }
0x27: {  	[sflag:s13] =	ssyncset.done $0x0  }
0x28: {  	[sflag:s13] =	ssyncadd.s32 $0xFFFFD800  }
.LBB2_1:
0x29: {  	s0 =	simm.s32 $0x80  }
0x2a: {  	[tilespmem:s3], [sflag:$0x2] =	stream.strided.gather [hbm4b:s7+s0], $0x2780, s12, s0, $0x38;
	[tilespmem:$0x1F800] =	vst v63  }
0x2b: {  	_ =	swait.ge [sflag:s13], $0x2780  }
0x2c: {  	[sflag:s13] =	ssyncset.done $0x0  }
0x2d: {  	s29 =	simm.s32 $0x2780;
	[sflag:s13] =	ssyncadd.s32 $0xFFFFD880  }
0x2e: {  	[tilespmem:s29], [sflag:$0x2] =	stream.linear.gather [hbm4b:s8+s3], $0x3E80, $0x38;
	[tilespmem:$0x1F800] =	vst v63  }
0x2f: {  	_ =	swait.ge [sflag:s13], $0x3E80  }
0x30: {  	[sflag:s13] =	ssyncset.done $0x0  }
0x31: {  	[sflag:s13] =	ssyncadd.s32 $0xFFFFC180  }
0x32: {  	[tilespmem:s14], [sflag:$0x2] =	stream.linear.gather [hbm4b:s6+s3], $0x80, $0x38;
	[tilespmem:$0x1F800] =	vst v63  }
0x33: {  	_ =	swait.ge [sflag:s13], $0x80  }
0x34: {  	[sflag:s13] =	ssyncset.done $0x0  }
0x35: {  	[sflag:s13] =	ssyncadd.s32 $0xFFFFFF80  }
0x36: {  	[spmem:s16], [sflag:s15] =	dma.local [hbm:s5], $0x800  }
0x37: {  	_ =	swait.ge [sflag:s13], $0x800  }
0x38: {  	[sflag:s13] =	ssyncset.done $0x0  }
0x39: {  	[sflag:s13] =	ssyncadd.s32 $0xFFFFF800  }
0x3a: {  	[spmem:s17], [sflag:s15] =	dma.local [hbm:s5], $0x800  }
0x3b: {  	_ =	swait.ge [sflag:s13], $0x800  }
0x3c: {  	[sflag:s13] =	ssyncset.done $0x0  }
0x3d: {  	[sflag:s13] =	ssyncadd.s32 $0xFFFFF800  }
0x3e: {  	[spmem:s18], [sflag:s15] =	dma.local [hbm:s5], $0x800  }
0x3f: {  	_ =	swait.ge [sflag:s13], $0x800  }
0x40: {  	[sflag:s13] =	ssyncset.done $0x0  }
0x41: {  	[sflag:s13] =	ssyncadd.s32 $0xFFFFF800  }
0x42: {  	[spmem:s19], [sflag:s15] =	dma.local [hbm:s5], $0x800  }
0x43: {  	_ =	swait.ge [sflag:s13], $0x800  }
0x44: {  	[sflag:s13] =	ssyncset.done $0x0  }
0x45: {  	[sflag:s13] =	ssyncadd.s32 $0xFFFFF800  }
0x46: {  	[spmem:s20], [sflag:s15] =	dma.local [hbm:s5], $0x800  }
0x47: {  	_ =	swait.ge [sflag:s13], $0x800  }
0x48: {  	[sflag:s13] =	ssyncset.done $0x0  }
0x49: {  	[sflag:s13] =	ssyncadd.s32 $0xFFFFF800  }
0x4a: {  	[bflag:$0x0] =	sbarrier.arrive $0xFFFF  }
0x4b: {  	[tilespmem:s22], [sflag:$0x1] =	stream.indirect.gather [hbm4b:s4+s21], $0x80, s3, s21, $0xb8;
	[tilespmem:$0x1F800] =	vst v63  }
0x4c: {  	_ = 	snop  }
0x4d: {  	[tilespmem:s23], [sflag:$0x1] =	stream.indirect.gather [hbm4b:s4+s21], $0x80, s21, s21, $0xb8;
	[tilespmem:$0x1F800] =	vst v63  }
0x4e: {  	v0 =	vld [tilespmem:$0xB780];
	_ =	sdelay $0x4  }
0x4f: {  	v0 =	vxor.u32 $0x80000000, v0  }
0x50: {  	(xrf0) =	vmax.scan.msk.u32 $0xffff, v0;
	_ =	sdelay $0x5  }
0x51: {  	v0, _, _ =	vpop (xrf0)  }
0x52: {  	(v2sf) =	vpush v0, $0xF;
	_ =	sdelay $0xe  }
0x53: {  	s11 =	spop (v2sf)  }
0x54: {  	s30 =	sxor.u32 $0x80000000, s11  }
0x55: {  	p0 =	slt.s32 s30, $0x1  }
.Ltmp2:
0x56: {  	_ = 	snop;
	(pc) =	sbr.rel @p0 .LBB2_5-.Ltmp2, $2  }
0x57: {  	_ =	sdelay $0x2  }
0x58: {  	s31 =	simm.s32 $0xA0  }
0x59: {  	s0 =	sand.u32 $0x1, s3  }
0x5a: {  	_ =	swait.ge [sflag:s24], $0x2800;
	p0 =	seq.s32 s0, $0x1;
	s0 =	simm.s32 $0x8F80  }
0x5b: {  	[sflag:s24] =	ssyncset.done $0x0;
	s0 =	simm.s32 @!p0 $0x6780;
	p0 =	sne.s32 s30, $0x1  }
.Ltmp3:
0x5c: {  	[sflag:s24] =	ssyncadd.s32 $0xFFFFD800;
	(pc) =	sbr.rel @!p0 .LBB2_4-.Ltmp3, $4  }
0x5d: {  	[spmem:s2] =	stream.indirect.scatter.add.f32 [tilespmem:s0], [sflag:$0x2], $0x80, s29, s21, $0xb8;
	[tilespmem:$0x1F800] =	vst v63  }
0x5e: {  	_ =	swait.ge [sflag:s13], $0x2800  }
0x5f: {  	s1 =	simm.s32 $0xF0;
	[sflag:s13] =	ssyncset.done $0x0  }
0x60: {  	s11 =	simm.s32 $0x2800;
	s29 =	simm.s32 $0x1;
	[sflag:s13] =	ssyncadd.s32 $0xFFFFD800  }
.LBB2_3:
0x61: {  	[tilespmem:s0], [sflag:$0x1] =	stream.indirect.gather [hbm4b:s4+s21], $0x80, s31, s21, $0xb8;
	[tilespmem:$0x1F800] =	vst v63  }
0x62: {  	s0 =	sand.u32 $0x1, s29  }
0x63: {  	s29 =	sadd.s32 $0x1, s29;
	_ =	swait.ge [sflag:s24], $0x2800;
	p1 =	seq.s32 s0, $0x1  }
0x64: {  	p0 =	sne.s32 s30, s29;
	s0 =	simm.s32 $0x8F80;
	[sflag:s24] =	ssyncset.done $0x0  }
.Ltmp4:
0x65: {  	s0 =	simm.s32 @!p1 $0x6780;
	[sflag:s24] =	ssyncadd.s32 $0xFFFFD800;
	(pc) =	sbr.rel @p0 .LBB2_3-.Ltmp4, $4  }
0x66: {  	[spmem:s2] =	stream.indirect.scatter.add.f32 [tilespmem:s0], [sflag:$0x2], $0x80, s11, s21, $0xb8;
	[tilespmem:$0x1F800] =	vst v63  }
0x67: {  	s31 =	smov.u32 s1;
	_ =	swait.ge [sflag:s13], $0x2800  }
0x68: {  	[sflag:s13] =	ssyncset.done $0x0  }
0x69: {  	s1 =	sadd.s32 $0x50, s1;
	s11 =	sadd.s32 $0x80, s11;
	[sflag:s13] =	ssyncadd.s32 $0xFFFFD800  }
.Ltmp5:
0x6a: {  	_ = 	snop;
	(pc) =	sbr.rel .LBB2_4-.Ltmp5, $1  }
0x6b: {  	_ =	sdelay $0x3  }
.LBB2_6:
0x6c: {  	_ =	sfence.sel $0x180000  }
0x6d: {  	[bflag:$0x0] =	sbarrier.arrive $0xFFFF  }
0x6e: {  	_ =	strace $0x9000004A  }
0x6f: {  	s0 =	stileid.u32;
	[bflag:$0x2] =	sbarrier.arrive $0xFFFF  }
0x70: {  	p0 =	sne.s32 s0, $0x0;
	s0 =	rddreg [dreg:$0x2]  }
0x71: {  	s0 =	sadd.s32 @!p0 $0x100000, s0  }
0x72: {  	[sflag:s0] =	ssyncadd.tile.s32 @!p0 $0x1;
	_ =	shalt  }
.Lfunc_end2:
_tile_overlayer_lowered:
.L_overlay_start_2:
0x73: {  	(tag) =	ssettag $0x2  }
0x74: {  	s0 =	rddreg [dreg:$0x0];
	s2 =	stileid.u32  }
0x75: {  	s1 =	rddreg [dreg:$0x1];
	p0 =	sne.s32 s2, $0x0  }
0x76: {  	s3 =	rddreg [dreg:$0x2];
	[bflag:$0x3] =	sbarrier.arrive $0xFFFF;
	s2 =	simm.s32 @!p0 $0x1C02  }
0x77: {  	[timem:s3], [sflag:s2] =	dma.local @!p0 [hbm:s0], s1  }
0x78: {  	s0 =	simm.s32 @!p0 $0x2  }
0x79: {  	_ =	swait.ge @!p0 [sflag:s0], s1  }
0x7a: {  	s1 =	ssub.s32 @!p0 $0x0, s1;
	[sflag:s0] =	ssyncset.done @!p0 $0x0  }
0x7b: {  	[sflag:s0] =	ssyncadd.s32 @!p0 s1  }
0x7c: {  	[bflag:$0x3] =	sbarrier.arrive $0xFFFF  }
0x7d: {  	_ =	shalt  }

// kernel: kernel.13.cloned.1.call-start
scs
__scs_entry_jumppad:
0x0: {  	(pc) =	sbr.rel $0x88, $3  }
0x1: {  	(tag) =	ssettag $0x0;
	lr =	simm.s32 $0x1  }
0x2: {  	[smem:$0x3F99] =	sst lr;
	_ =	strace $0xD0000000  }
0x3: {  	_ = 	snop  }
0x4: {  	_ = 	snop  }
0x5: {  	_ = 	snop  }
0x6: {  	_ = 	snop  }
0x7: {  	_ = 	snop  }
__scs_overlays_trampoline_lowered:
0x8: {  	[smem:$0x3FA8] =	sst s0  }
0x9: {  	[smem:$0x3FA9] =	sst s1  }
0xa: {  	[smem:$0x3FAA] =	sst s2  }
0xb: {  	[smem:$0x3FAB] =	sst s3  }
0xc: {  	[smem:$0x3FAC] =	sst s4  }
0xd: {  	[smem:$0x3FAD] =	sst s5  }
0xe: {  	[smem:$0x3FAE] =	sst s6  }
0xf: {  	[smem:$0x3FAF] =	sst s7  }
0x10: {  	[smem:$0x3FB0] =	sst s8  }
0x11: {  	[smem:$0x3FB1] =	sst s9;
	s0 =	simm.s32 @!p0 $0x0  }
0x12: {  	s1 =	sld [smem:$0x3F97];
	s0 =	simm.s32 @p0 $0x1  }
0x13: {  	[smem:$0x3FB2] =	sst s0;
	s0 =	simm.s32 @!p1 $0x0  }
0x14: {  	s2 =	sld [smem:$0x3F96];
	s0 =	simm.s32 @p1 $0x1  }
0x15: {  	[smem:$0x3FB3] =	sst s0;
	s0 =	simm.s32 @!p2 $0x0  }
0x16: {  	s3 =	sld [smem:$0x3FDB];
	s0 =	simm.s32 @p2 $0x1  }
0x17: {  	s4 =	simm.s32 $0x1BF5;
	[smem:$0x3FB5] =	sst s0  }
0x18: {  	s0 =	sld [smem:$0x3F98];
	_ =	swait.ge [sflag:s4], $0x0  }
0x19: {  	s7 =	sld [smem:$0x3F99]  }
0x1a: {  	s8 =	sadd.s32 $0xFFFFE003, lr  }
0x1b: {  	s9 =	sadd.s32 $0xFFFFFEF7, lr;
	s5 =	simm.s32 $0xFFFFFFFF;
	p2 =	slt.u32 s8, $0xFFFFF086  }
0x1c: {  	p1 =	slt.u32 s9, $0xF7A;
	s5 =	simm.s32 @!p2 $0x0  }
0x1d: {  	s5 =	simm.s32 @p1 $0x1;
	p0 =	seq.s32 s7, s2  }
0x1e: {  	s7 =	smul.u32 @!p0 $0xF7A, s2;
	p2 =	seq.s32 @!p0 s5, $0x0  }
0x1f: {  	s9 =	smul.u32 $0xF7A, s1;
	s8 =	simm.s32 @!p0 $0x1BF5;
	p2 =	por !p2, p0  }
0x20: {  	[sflag:s8] =	ssyncset.s32 @!p0 $0xFFFFF086;
	s6 =	sadd.s32 @!p0 s3, s7;
	s7 =	simm.s32 @!p0 $0x108  }
0x21: {  	s3 =	sadd.s32 s3, s9;
	s6 =	sadd.s32 @!p0 $0x88, s6;
	s7 =	simm.s32 @p2 $0x1082  }
0x22: {  	[simem:s7], [sflag:s8] =	dma.local @!p0 [hbm:s6], $0xF7A  }
0x23: {  	s9 =	sor.u32 $0xD0000000, s2;
	s6 =	simm.s32 $0x108;
	_ =	swait.ge @!p0 [sflag:s8], $0x0  }
0x24: {  	s3 =	sadd.s32 $0x88, s3;
	s6 =	simm.s32 @!p1 $0x1082;
	[sflag:s4] =	ssyncset.s32 $0xFFFFF086  }
0x25: {  	[simem:s6], [sflag:s4] =	dma.local [hbm:s3], $0xF7A  }
0x26: {  	[smem:$0x3F99] =	sst s1;
	(tag) =	ssettag s2;
	_ =	strace s9  }
0x27: {  	s1 =	sld [smem:$0x3FA9]  }
0x28: {  	s2 =	sld [smem:$0x3FAA]  }
0x29: {  	s4 =	sld [smem:$0x3FAC]  }
0x2a: {  	p0 =	seq.s32 s5, $0x0;
	s5 =	sld [smem:$0x3FAD]  }
0x2b: {  	s6 =	sld [smem:$0x3FAE]  }
0x2c: {  	s7 =	sld [smem:$0x3FAF]  }
0x2d: {  	s3 =	simm.s32 $0x108;
	s8 =	sld [smem:$0x3FB0]  }
0x2e: {  	s3 =	simm.s32 @!p0 $0x1082;
	s9 =	sld [smem:$0x3FB1]  }
0x2f: {  	lr =	sadd.s32 s0, s3;
	s0 =	sld [smem:$0x3FA8]  }
0x30: {  	s3 =	sld [smem:$0x3FAB]  }
0x31: {  	[smem:$0x3FB4] =	sst s10  }
0x32: {  	s10 =	sld [smem:$0x3FB2];
	_ =	sdelay $0x3  }
0x33: {  	p0 =	seq.s32 s10, $0x1;
	s10 =	sld [smem:$0x3FB4];
	_ =	sdelay $0x3  }
0x34: {  	[smem:$0x3FB4] =	sst s10  }
0x35: {  	s10 =	sld [smem:$0x3FB3];
	_ =	sdelay $0x3  }
0x36: {  	p1 =	seq.s32 s10, $0x1;
	s10 =	sld [smem:$0x3FB4];
	_ =	sdelay $0x3  }
0x37: {  	[smem:$0x3FB4] =	sst s10  }
0x38: {  	s10 =	sld [smem:$0x3FB5]  }
0x39: {  	_ = 	snop;
	(pc) =	sbr.ind lr, $3  }
0x3a: {  	_ = 	snop  }
0x3b: {  	_ = 	snop  }
0x3c: {  	p2 =	seq.s32 s10, $0x1;
	s10 =	sld [smem:$0x3FB4]  }
0x3d: {  	_ =	shalt  }
0x3e: {  	_ =	shalt  }
0x3f: {  	_ =	shalt  }
0x40: {  	_ =	shalt  }
0x41: {  	_ =	shalt  }
0x42: {  	_ =	shalt  }
0x43: {  	_ =	shalt  }
0x44: {  	_ =	shalt  }
0x45: {  	_ =	shalt  }
0x46: {  	_ =	shalt  }
0x47: {  	_ =	shalt  }
0x48: {  	_ =	shalt  }
0x49: {  	_ =	shalt  }
0x4a: {  	_ =	shalt  }
0x4b: {  	_ =	shalt  }
0x4c: {  	_ =	shalt  }
0x4d: {  	_ =	shalt  }
0x4e: {  	_ =	shalt  }
0x4f: {  	_ =	shalt  }
0x50: {  	_ =	shalt  }
0x51: {  	_ =	shalt  }
0x52: {  	_ =	shalt  }
0x53: {  	_ =	shalt  }
0x54: {  	_ =	shalt  }
0x55: {  	_ =	shalt  }
0x56: {  	_ =	shalt  }
0x57: {  	_ =	shalt  }
0x58: {  	_ =	shalt  }
0x59: {  	_ =	shalt  }
0x5a: {  	_ =	shalt  }
0x5b: {  	_ =	shalt  }
0x5c: {  	_ =	shalt  }
0x5d: {  	_ =	shalt  }
0x5e: {  	_ =	shalt  }
0x5f: {  	_ =	shalt  }
0x60: {  	_ =	shalt  }
0x61: {  	_ =	shalt  }
0x62: {  	_ =	shalt  }
0x63: {  	_ =	shalt  }
0x64: {  	_ =	shalt  }
0x65: {  	_ =	shalt  }
0x66: {  	_ =	shalt  }
0x67: {  	_ =	shalt  }
0x68: {  	_ =	shalt  }
0x69: {  	_ =	shalt  }
0x6a: {  	_ =	shalt  }
0x6b: {  	_ =	shalt  }
0x6c: {  	_ =	shalt  }
0x6d: {  	_ =	shalt  }
0x6e: {  	_ =	shalt  }
0x6f: {  	_ =	shalt  }
0x70: {  	_ =	shalt  }
0x71: {  	_ =	shalt  }
0x72: {  	_ =	shalt  }
0x73: {  	_ =	shalt  }
0x74: {  	_ =	shalt  }
0x75: {  	_ =	shalt  }
0x76: {  	_ =	shalt  }
0x77: {  	_ =	shalt  }
0x78: {  	_ =	shalt  }
0x79: {  	_ =	shalt  }
0x7a: {  	_ =	shalt  }
0x7b: {  	_ =	shalt  }
0x7c: {  	_ =	shalt  }
0x7d: {  	_ =	shalt  }
0x7e: {  	_ =	shalt  }
0x7f: {  	_ =	shalt  }
0x80: {  	_ =	shalt  }
0x81: {  	_ =	shalt  }
0x82: {  	_ =	shalt  }
0x83: {  	_ =	shalt  }
0x84: {  	_ =	shalt  }
0x85: {  	_ =	shalt  }
0x86: {  	_ =	shalt  }
0x87: {  	_ =	shalt  }
.Lfunc_end0:
.L_simem_size_0:
called_computation.2_lowered:
.L_overlay_start_0:
0x88: {  	s2 =	sld [smem:$0x3FD9]  }
0x89: {  	s3 =	sld [smem:$0x3FFE];
	_ =	sdelay $0x1  }
0x8a: {  	s1 =	srdreg.scid  }
0x8b: {  	s0 =	sand.u32 $0x1, s1  }
0x8c: {  	s17 =	sshll.u32 s0, $0xA;
	s2 =	sadd.s32 s3, s2  }
0x8d: {  	s2 =	sadd.s32 s2, s17  }
0x8e: {  	[smem:$0x3FC0] =	sst s2  }
0x8f: {  	_ = 	snop  }
0x90: {  	s2 =	sld [smem:$0x3FC6]  }
0x91: {  	s18 =	sld [smem:$0x3FD0];
	(tm) =	ssettm $0x1  }
0x92: {  	s4 =	sld [smem:$0x3FFB];
	_ =	sdelay $0x3  }
0x93: {  	_ =	strace s4  }
0x94: {  	s4 =	sld [smem:$0x3FFC];
	_ =	sdelay $0x3  }
0x95: {  	_ =	strace s4  }
0x96: {  	s4 =	sld [smem:$0x3FFD];
	_ =	sdelay $0x3  }
0x97: {  	_ =	strace s4  }
0x98: {  	_ =	strace $0x8FFFFFFF  }
0x99: {  	s19 =	sld [smem:$0x3FDB];
	_ =	sdelay $0x1  }
0x9a: {  	s5 =	simm.s32 $_scs_section_size  }
0x9b: {  	s6 =	simm.s32 $_size__tile_overlayer_lowered;
	s7 =	simm.s32 $_tile_overlayer_lowered  }
0x9c: {  	s22 =	simm.s32 $0x1BFF;
	s21 =	sshll.u32 s7, $0x1;
	s4 =	sadd.s32 s5, s19  }
0x9d: {  	s8 =	simm.s32 $0x0;
	s20 =	sshll.u32 s6, $0x1;
	s6 =	sadd.s32 s21, s4  }
0x9e: {  	[timem:s8], [sflag:s22] =	dma.local [hbm:s6], s20  }
0x9f: {  	_ =	swait.ge [sflag:s22], s20  }
0xa0: {  	s5 =	ssub.s32 $0x0, s20;
	[sflag:s22] =	ssyncset.done $0x0  }
0xa1: {  	[sflag:s22] =	ssyncadd.s32 s5;
	_ =	sdelay $0x1  }
0xa2: {  	s23 =	simm.s32 $0x1B8B  }
0xa3: {  	_ =	swait.ge [sflag:s23], $0x1  }
0xa4: {  	[sflag:s23] =	ssyncset.done $0x0  }
0xa5: {  	s25 =	simm.s32 $0x1B8E;
	s24 =	sld [smem:$0x3FFE];
	[sflag:s23] =	ssyncadd.s32 $0xFFFFFFFF  }
0xa6: {  	s26 =	simm.s32 $execute0_lowered;
	[smem:$0x3FD2] =	sst s25  }
0xa7: {  	s6 =	sshll.u32 s26, $0x1;
	_ =	strace $0x8000004C;
	[dreg:$0x1] =	wrdreg $0xFFFFFFFF  }
0xa8: {  	s28 =	simm.s32 $_size_execute0_lowered;
	s4 =	sadd.s32 s4, s6;
	[dreg:$0x0] =	wrdreg $0x0  }
0xa9: {  	s6 =	sshll.u32 s28, $0x1;
	[dreg:$0x2] =	wrdreg s4  }
0xaa: {  	[dreg:$0x3] =	wrdreg s6  }
0xab: {  	[dreg:$0x4] =	wrdreg $0xC0  }
0xac: {  	_ =	task [dreg:s8], $0x5FFFF  }
0xad: {  	[dreg:$0x1] =	wrdreg $0xFFFFFFFF  }
0xae: {  	[dreg:$0x0] =	wrdreg $0x60  }
0xaf: {  	[dreg:$0x2] =	wrdreg s24  }
0xb0: {  	[dreg:$0x3] =	wrdreg s2  }
0xb1: {  	[dreg:$0x4] =	wrdreg s18  }
0xb2: {  	[dreg:$0x5] =	wrdreg $0x9  }
0xb3: {  	_ =	task.clear_ibuf [dreg:s8], $0x6FFFF;
	_ =	strace $0x9000004C  }
0xb4: {  	s29 =	simm.s32 $0x9;
	_ =	strace $0x8000004E  }
0xb5: {  	_ =	swait.ge [sflag:s29], $0x1  }
0xb6: {  	[sflag:s29] =	ssyncadd.s32 $0xFFFFFFFF  }
0xb7: {  	_ =	strace $0x9000004E  }
0xb8: {  	_ =	sfence  }
0xb9: {  	s30 =	sld [smem:$0x0];
	_ =	sdelay $0x2  }
0xba: {  	s31 =	sshll.u32 s1, $0xD;
	s1 =	sshrl.u32 s1, $0x2  }
0xbb: {  	s3 =	sand.u32 $0x4000, s31;
	s1 =	sadd.s32 s1, s30  }
0xbc: {  	s0 =	sor.u32 s3, s0;
	s1 =	sshll.u32 s1, $0x11  }
0xbd: {  	s0 =	sor.u32 s1, s0  }
0xbe: {  	s0 =	sadd.s32 $0x8F2B, s0  }
0xbf: {  	[sflag:s0] =	ssyncadd.remote.s32 $0x1  }
0xc0: {  	_ =	sfence.sel $0xFFFF  }
0xc1: {  	[dreg:$0x0] =	wrdreg $0xFFFFFFFF;
	(pc) =	sbr.abs _section_cstart, $3  }
0xc2: {  	[dreg:$0x1] =	wrdreg $0xFFFFFFFF  }
0xc3: {  	_ =	task.clear_ibuf [dreg:s8], $0x2FFFF;
	_ =	strace $0x9FFFFFFF  }
0xc4: {  	(tm) =	ssettm $0x7FFFFFFF  }
0xc5: {  	_ =	shalt  }
tec
execute0_lowered:
.L_overlay_start_1:
0x0: {  	(tag) =	ssettag $0x1  }
0x1: {  	s6 =	rddreg [dreg:$0x0]  }
0x2: {  	s7 =	rddreg [dreg:$0x1]  }
0x3: {  	s9 =	rddreg [dreg:$0x2]  }
0x4: {  	s0 =	rddreg [dreg:$0x3];
	s2 =	simm.s32 $0x0;
	s3 =	srdreg.scid  }
0x5: {  	s1 =	stileid.u32;
	s13 =	simm.s32 $0x4F00;
	s14 =	simm.s32 $0x2  }
0x6: {  	s15 =	simm.s32 $0x5F00;
	s16 =	simm.s32 $0x2780;
	s17 =	simm.s32 $0xAF00  }
0x7: {  	s18 =	simm.s32 $0x1;
	s19 =	simm.s32 $0x9F00;
	s20 =	simm.s32 $0x0  }
0x8: {  	[smem:$0x7FF] =	sst s2;
	s8 =	sand.u32 $0x1, s3;
	s10 =	sshll.u32 s1, $0xC  }
0x9: {  	s3 =	sadd.s32 $0x2000, s6;
	s4 =	sadd.s32 $0x2600, s6;
	s5 =	sshll.u32 s8, $0x10  }
0xa: {  	_ =	strace $0x8000004D;
	s8 =	ssub.s32 $0x2, s8;
	s10 =	sor.u32 s10, s5  }
0xb: {  	s5 =	sadd.s32 $0x9DC00, s6;
	s6 =	sadd.s32 $0x2C00, s6;
	s12 =	sshrl.u32 s8, $0x1  }
0xc: {  	s11 =	sshrl.u32 s10, $0x2;
	s31 =	ssub.s32 s8, s12;
	s10 =	sshrl.u32 s10, $0x3  }
0xd: {  	s12 =	simm.s32 $0x100;
	s7 =	sadd.s32 s7, s11;
	s9 =	sadd.s32 s9, s10  }
0xe: {  	s10 =	smax.u32 s31, $0x1;
	s11 =	simm.s32 $0x80;
	s8 =	sadd.s32 $0x10, s7  }
.LBB2_1:
0xf: {  	[tilespmem:s13], [sflag:$0x2] =	stream.strided.gather [hbm4b:s7+s11], $0x1000, s12, s11, $0x38;
	[tilespmem:$0xAF80] =	vst v63  }
0x10: {  	_ =	swait.ge [sflag:s14], $0x1000  }
0x11: {  	[sflag:s14] =	ssyncset.done $0x0  }
0x12: {  	[sflag:s14] =	ssyncadd.s32 $0xFFFFF000  }
0x13: {  	[tilespmem:s15], [sflag:$0x2] =	stream.strided.gather [hbm4b:s8+s11], $0x1000, s12, s11, $0x38;
	[tilespmem:$0xAF80] =	vst v63  }
0x14: {  	_ =	swait.ge [sflag:s14], $0x1000  }
0x15: {  	[sflag:s14] =	ssyncset.done $0x0  }
0x16: {  	s21 =	simm.s32 $0x0;
	[sflag:s14] =	ssyncadd.s32 $0xFFFFF000  }
0x17: {  	v0 =	vld [tilespmem:s21+$0x4F00]  }
0x18: {  	s22 =	simm.s32 $0x40;
	v1 =	vld [tilespmem:s21+$0x5F00]  }
.LBB2_2:
0x19: {  	_ = 	snop  }
0x1a: {  	p0 =	sne.s32 s22, $0x3FC0  }
.Ltmp0:
0x1b: {  	_ = 	snop;
	(pc) =	sbr.rel @p0 .LBB2_2-.Ltmp0, $4  }
0x1c: {  	v2 =	vmul.u32 $0x2710, v0  }
0x1d: {  	s23 =	sshra.s32 s22, $0x2  }
0x1e: {  	v0 =	vld [tilespmem:s23+$0x4F00];
	v2 =	vadd.s32 v1, v2  }
0x1f: {  	s22 =	sadd.s32 $0x40, s22;
	v1 =	vld [tilespmem:s23+$0x5F00];
	[tilespmem:s21+$0x6F00] =	vst v2;
	s21 =	smov.u32 s23  }
0x20: {  	_ =	sdelay $0x2  }
0x21: {  	v0 =	vmul.u32 $0x2710, v0;
	_ =	sdelay $0x1  }
0x22: {  	v0 =	vadd.s32 v1, v0  }
0x23: {  	s22 =	simm.s32 $0x8F00;
	s23 =	simm.s32 $0x6F00;
	[tilespmem:s21+$0x6F00] =	vst v0;
	s21 =	simm.s32 $0x200  }
.LBB2_4:
0x24: {  	[tilespmem:s22], [sflag:$0x1] =	stream.indirect.gather [hbm4b:s5+s11], $0x1, s23, s11, $0xb8;
	[tilespmem:$0xAF80] =	vst v63  }
0x25: {  	s22 =	smov.u32 s21;
	p0 =	sne.s32 s21, $0x3E00  }
.Ltmp1:
0x26: {  	s21 =	sadd.s32 $0x200, s21;
	(pc) =	sbr.rel @p0 .LBB2_4-.Ltmp1, $3  }
0x27: {  	_ =	sdelay $0x1  }
0x28: {  	s23 =	sshra.s32 s22, $0x2  }
0x29: {  	s22 =	sadd.s32 $0x8F00, s23;
	s23 =	sadd.s32 $0x6F00, s23  }
0x2a: {  	[tilespmem:s22], [sflag:$0x1] =	stream.indirect.gather [hbm4b:s5+s11], $0x1, s23, s11, $0xb8;
	[tilespmem:$0xAF80] =	vst v63  }
0x2b: {  	s21 =	simm.s32 $0x0  }
0x2c: {  	[tilespmem:s21], [sflag:$0x2] =	stream.linear.gather [hbm4b:s3+s21], $0x2780, $0x38;
	[tilespmem:$0xAF80] =	vst v63  }
0x2d: {  	_ =	swait.ge [sflag:s14], $0x2780  }
0x2e: {  	[sflag:s14] =	ssyncset.done $0x0  }
0x2f: {  	[sflag:s14] =	ssyncadd.s32 $0xFFFFD880  }
0x30: {  	[tilespmem:s16], [sflag:$0x2] =	stream.linear.gather [hbm4b:s4+s21], $0x2780, $0x38;
	[tilespmem:$0xAF80] =	vst v63  }
0x31: {  	_ =	swait.ge [sflag:s14], $0x2780  }
0x32: {  	[sflag:s14] =	ssyncset.done $0x0  }
0x33: {  	[sflag:s14] =	ssyncadd.s32 $0xFFFFD880  }
0x34: {  	[tilespmem:s17], [sflag:$0x2] =	stream.linear.gather [hbm4b:s6+s21], $0x80, $0x38;
	[tilespmem:$0xAF80] =	vst v63  }
0x35: {  	_ =	swait.ge [sflag:s14], $0x80  }
0x36: {  	[sflag:s14] =	ssyncset.done $0x0  }
0x37: {  	s21 =	simm.s32 $0x0;
	[sflag:s14] =	ssyncadd.s32 $0xFFFFFF80  }
0x38: {  	v1 =	vld [tilespmem:s21+$0x5F00]  }
0x39: {  	v2 =	vld [tilespmem:s21+$0x4F00];
	_ =	sdelay $0x5  }
0x3a: {  	v0 =	vld [tilespmem:$0xAF00]  }
0x3b: {  	v1 =	vld.idx.msk [tilespmem:v1+s16+$0x0], $0xffff  }
0x3c: {  	s22 =	simm.s32 $0x10;
	v3 =	vld.idx.msk [tilespmem:v2+s2+$0x0], $0xffff  }
0x3d: {  	s23 =	simm.s32 $0x80;
	v2 =	vld [tilespmem:s22+$0x5F00]  }
.LBB2_6:
0x3e: {  	p0 =	sne.s32 s23, $0x3FC0;
	v4 =	vld [tilespmem:s22+$0x4F00];
	_ =	sdelay $0x3  }
0x3f: {  	v1 =	vadd.f32 v1, v3  }
.Ltmp2:
0x40: {  	(pc) =	sbr.rel @p0 .LBB2_6-.Ltmp2, $4  }
0x41: {  	[tilespmem:s21+$0x7F00] =	vst v1;
	s21 =	smov.u32 s22  }
0x42: {  	v1 =	vld.idx.msk [tilespmem:v2+s16+$0x0], $0xffff  }
0x43: {  	s22 =	sshra.s32 s23, $0x2;
	v3 =	vld.idx.msk [tilespmem:v4+s2+$0x0], $0xffff  }
0x44: {  	s23 =	sadd.s32 $0x40, s23;
	v2 =	vld [tilespmem:s22+$0x5F00]  }
0x45: {  	_ = 	snop  }
0x46: {  	v4 =	vld [tilespmem:s22+$0x4F00];
	_ =	sdelay $0x3  }
0x47: {  	v1 =	vadd.f32 v1, v3;
	_ =	sdelay $0x1  }
0x48: {  	[tilespmem:s21+$0x7F00] =	vst v1  }
0x49: {  	v1 =	vld.idx.msk [tilespmem:v2+s16+$0x0], $0xffff  }
0x4a: {  	v2 =	vld.idx.msk [tilespmem:v4+s2+$0x0], $0xffff;
	_ =	sdelay $0x4  }
0x4b: {  	v1 =	vadd.f32 v1, v2;
	_ =	sdelay $0x1  }
0x4c: {  	[tilespmem:s22+$0x7F00] =	vst v1  }
0x4d: {  	_ =	swait.ge [sflag:s18], $0x80  }
0x4e: {  	[sflag:s18] =	ssyncset.done $0x0  }
0x4f: {  	[sflag:s18] =	ssyncadd.s32 $0xFFFFFF80  }
0x50: {  	_ =	swait.ge [sflag:s18], $0x80  }
0x51: {  	[sflag:s18] =	ssyncset.done $0x0  }
0x52: {  	[sflag:s18] =	ssyncadd.s32 $0xFFFFFF80  }
0x53: {  	_ =	swait.ge [sflag:s18], $0x80  }
0x54: {  	[sflag:s18] =	ssyncset.done $0x0  }
0x55: {  	[sflag:s18] =	ssyncadd.s32 $0xFFFFFF80  }
0x56: {  	_ =	swait.ge [sflag:s18], $0x80  }
0x57: {  	[sflag:s18] =	ssyncset.done $0x0  }
0x58: {  	[sflag:s18] =	ssyncadd.s32 $0xFFFFFF80  }
0x59: {  	_ =	swait.ge [sflag:s18], $0x80  }
0x5a: {  	[sflag:s18] =	ssyncset.done $0x0  }
0x5b: {  	[sflag:s18] =	ssyncadd.s32 $0xFFFFFF80  }
0x5c: {  	_ =	swait.ge [sflag:s18], $0x80  }
0x5d: {  	[sflag:s18] =	ssyncset.done $0x0  }
0x5e: {  	[sflag:s18] =	ssyncadd.s32 $0xFFFFFF80  }
0x5f: {  	_ =	swait.ge [sflag:s18], $0x80  }
0x60: {  	[sflag:s18] =	ssyncset.done $0x0  }
0x61: {  	[sflag:s18] =	ssyncadd.s32 $0xFFFFFF80  }
0x62: {  	_ =	swait.ge [sflag:s18], $0x80  }
0x63: {  	[sflag:s18] =	ssyncset.done $0x0  }
0x64: {  	[sflag:s18] =	ssyncadd.s32 $0xFFFFFF80  }
0x65: {  	_ =	swait.ge [sflag:s18], $0x80  }
0x66: {  	[sflag:s18] =	ssyncset.done $0x0  }
0x67: {  	[sflag:s18] =	ssyncadd.s32 $0xFFFFFF80  }
0x68: {  	_ =	swait.ge [sflag:s18], $0x80  }
0x69: {  	[sflag:s18] =	ssyncset.done $0x0  }
0x6a: {  	[sflag:s18] =	ssyncadd.s32 $0xFFFFFF80  }
0x6b: {  	_ =	swait.ge [sflag:s18], $0x80  }
0x6c: {  	[sflag:s18] =	ssyncset.done $0x0  }
0x6d: {  	[sflag:s18] =	ssyncadd.s32 $0xFFFFFF80  }
0x6e: {  	_ =	swait.ge [sflag:s18], $0x80  }
0x6f: {  	[sflag:s18] =	ssyncset.done $0x0  }
0x70: {  	[sflag:s18] =	ssyncadd.s32 $0xFFFFFF80  }
0x71: {  	_ =	swait.ge [sflag:s18], $0x80  }
0x72: {  	[sflag:s18] =	ssyncset.done $0x0  }
0x73: {  	[sflag:s18] =	ssyncadd.s32 $0xFFFFFF80  }
0x74: {  	_ =	swait.ge [sflag:s18], $0x80  }
0x75: {  	[sflag:s18] =	ssyncset.done $0x0  }
0x76: {  	[sflag:s18] =	ssyncadd.s32 $0xFFFFFF80  }
0x77: {  	_ =	swait.ge [sflag:s18], $0x80  }
0x78: {  	[sflag:s18] =	ssyncset.done $0x0  }
0x79: {  	[sflag:s18] =	ssyncadd.s32 $0xFFFFFF80  }
0x7a: {  	_ =	swait.ge [sflag:s18], $0x80  }
0x7b: {  	[sflag:s18] =	ssyncset.done $0x0  }
0x7c: {  	[sflag:s18] =	ssyncadd.s32 $0xFFFFFF80  }
0x7d: {  	_ =	swait.ge [sflag:s18], $0x80  }
0x7e: {  	[sflag:s18] =	ssyncset.done $0x0  }
0x7f: {  	[sflag:s18] =	ssyncadd.s32 $0xFFFFFF80  }
0x80: {  	_ =	swait.ge [sflag:s18], $0x80  }
0x81: {  	[sflag:s18] =	ssyncset.done $0x0  }
0x82: {  	[sflag:s18] =	ssyncadd.s32 $0xFFFFFF80  }
0x83: {  	_ =	swait.ge [sflag:s18], $0x80  }
0x84: {  	[sflag:s18] =	ssyncset.done $0x0  }
0x85: {  	[sflag:s18] =	ssyncadd.s32 $0xFFFFFF80  }
0x86: {  	_ =	swait.ge [sflag:s18], $0x80  }
0x87: {  	[sflag:s18] =	ssyncset.done $0x0  }
0x88: {  	[sflag:s18] =	ssyncadd.s32 $0xFFFFFF80  }
0x89: {  	_ =	swait.ge [sflag:s18], $0x80  }
0x8a: {  	[sflag:s18] =	ssyncset.done $0x0  }
0x8b: {  	[sflag:s18] =	ssyncadd.s32 $0xFFFFFF80  }
0x8c: {  	_ =	swait.ge [sflag:s18], $0x80  }
0x8d: {  	[sflag:s18] =	ssyncset.done $0x0  }
0x8e: {  	[sflag:s18] =	ssyncadd.s32 $0xFFFFFF80  }
0x8f: {  	_ =	swait.ge [sflag:s18], $0x80  }
0x90: {  	[sflag:s18] =	ssyncset.done $0x0  }
0x91: {  	[sflag:s18] =	ssyncadd.s32 $0xFFFFFF80  }
0x92: {  	_ =	swait.ge [sflag:s18], $0x80  }
0x93: {  	[sflag:s18] =	ssyncset.done $0x0  }
0x94: {  	[sflag:s18] =	ssyncadd.s32 $0xFFFFFF80  }
0x95: {  	_ =	swait.ge [sflag:s18], $0x80  }
0x96: {  	[sflag:s18] =	ssyncset.done $0x0  }
0x97: {  	[sflag:s18] =	ssyncadd.s32 $0xFFFFFF80  }
0x98: {  	_ =	swait.ge [sflag:s18], $0x80  }
0x99: {  	[sflag:s18] =	ssyncset.done $0x0  }
0x9a: {  	[sflag:s18] =	ssyncadd.s32 $0xFFFFFF80  }
0x9b: {  	_ =	swait.ge [sflag:s18], $0x80  }
0x9c: {  	[sflag:s18] =	ssyncset.done $0x0  }
0x9d: {  	[sflag:s18] =	ssyncadd.s32 $0xFFFFFF80  }
0x9e: {  	_ =	swait.ge [sflag:s18], $0x80  }
0x9f: {  	[sflag:s18] =	ssyncset.done $0x0  }
0xa0: {  	[sflag:s18] =	ssyncadd.s32 $0xFFFFFF80  }
0xa1: {  	_ =	swait.ge [sflag:s18], $0x80  }
0xa2: {  	[sflag:s18] =	ssyncset.done $0x0  }
0xa3: {  	[sflag:s18] =	ssyncadd.s32 $0xFFFFFF80  }
0xa4: {  	_ =	swait.ge [sflag:s18], $0x80  }
0xa5: {  	[sflag:s18] =	ssyncset.done $0x0  }
0xa6: {  	[sflag:s18] =	ssyncadd.s32 $0xFFFFFF80  }
0xa7: {  	_ =	swait.ge [sflag:s18], $0x80  }
0xa8: {  	[sflag:s18] =	ssyncset.done $0x0  }
0xa9: {  	[sflag:s18] =	ssyncadd.s32 $0xFFFFFF80  }
0xaa: {  	_ =	swait.ge [sflag:s18], $0x80  }
0xab: {  	[sflag:s18] =	ssyncset.done $0x0  }
0xac: {  	s23 =	simm.s32 $0x0;
	[sflag:s18] =	ssyncadd.s32 $0xFFFFFF80  }
0xad: {  	v1 =	vld [tilespmem:s23+$0x8F00];
	_ =	sdelay $0x1  }
0xae: {  	v2 =	vld [tilespmem:s23+$0x7F00]  }
0xaf: {  	s21 =	simm.s32 $0x10  }
0xb0: {  	v3 =	vld [tilespmem:s21+$0x8F00]  }
0xb1: {  	v1 =	vmul.f32 v1, v0  }
0xb2: {  	s22 =	simm.s32 $0x20;
	v4 =	vld [tilespmem:s21+$0x7F00]  }
0xb3: {  	v5 =	vld [tilespmem:s22+$0x8F00];
	v1 =	vadd.f32 v1, v2;
	_ =	sdelay $0x1  }
0xb4: {  	v2 =	vmul.f32 v3, v0;
	v3 =	vld [tilespmem:s22+$0x7F00];
	v1 =	vmul.f32 $-2.000000000e+00, v1;
	_ =	sdelay $0x1  }
0xb5: {  	v1 =	vmul.f32 $1.442695020e+00, v1  }
0xb6: {  	v2 =	vadd.f32 v2, v4;
	v4 =	vmul.f32 v5, v0  }
0xb7: {  	(erf) = vpow2.f32 v1  }
0xb8: {  	v2 =	vmul.f32 $-2.000000000e+00, v2;
	v3 =	vadd.f32 v4, v3  }
0xb9: {  	s24 =	simm.s32 $0x30  }
0xba: {  	v1 =	vmul.f32 $1.442695020e+00, v2;
	v2 =	vld [tilespmem:s24+$0x8F00];
	v3 =	vmul.f32 $-2.000000000e+00, v3;
	_ =	sdelay $0x1  }
0xbb: {  	(erf) = vpow2.f32 v1;
	v1 =	vld [tilespmem:s24+$0x7F00];
	v3 =	vmul.f32 $1.442695020e+00, v3;
	_ =	sdelay $0x2  }
0xbc: {  	v2 =	vmul.f32 v2, v0  }
0xbd: {  	s25 =	simm.s32 $0x40;
	(erf) = vpow2.f32 v3;
	v3 =	vpop (erf)  }
0xbe: {  	v4 =	vld [tilespmem:s25+$0x8F00];
	v1 =	vadd.f32 v2, v1;
	v3 =	vadd.f32 $1.000000000e+00, v3;
	_ =	sdelay $0x1  }
0xbf: {  	v2 =	vld [tilespmem:s25+$0x7F00];
	v1 =	vmul.f32 $-2.000000000e+00, v1;
	(erf) = vrcp.f32 v3;
	_ =	sdelay $0x1  }
0xc0: {  	v5 =	vpop (erf);
	v6 =	vmul.f32 $1.442695020e+00, v1  }
0xc1: {  	s26 =	simm.s32 $0x50;
	v4 =	vmul.f32 v4, v0;
	v3 =	vadd.f32 $1.000000000e+00, v5  }
0xc2: {  	v1 =	vld [tilespmem:s26+$0x8F00];
	(erf) = vpow2.f32 v6  }
0xc3: {  	v4 =	vadd.f32 v4, v2;
	(erf) = vrcp.f32 v3  }
0xc4: {  	v2 =	vld [tilespmem:s26+$0x7F00]  }
0xc5: {  	s28 =	simm.s32 $0x180;
	v4 =	vmul.f32 $-2.000000000e+00, v4;
	v3 =	vpop (erf)  }
.LBB2_8:
0xc6: {  	s29 =	sshra.s32 s28, $0x2  }
0xc7: {  	v5 =	vmul.f32 v1, v0;
	v4 =	vmul.f32 $1.442695020e+00, v4;
	v6 =	vpop (erf);
	s30 =	smov.u32 s24;
	s24 =	smov.u32 s25;
	p0 =	sne.s32 s28, $0x3FC0  }
.Ltmp3:
0xc8: {  	s28 =	sadd.s32 $0x40, s28;
	v3 =	vadd.f32 $1.000000000e+00, v3;
	v1 =	vld [tilespmem:s29+$0x8F00];
	v6 =	vadd.f32 v6, v6;
	(pc) =	sbr.rel @p0 .LBB2_8-.Ltmp3, $4  }
0xc9: {  	s25 =	smov.u32 s26;
	s26 =	smov.u32 s29;
	v5 =	vadd.f32 v5, v2;
	(erf) = vpow2.f32 v4  }
0xca: {  	v2 =	vld [tilespmem:s26+$0x7F00];
	(erf) = vrcp.f32 v3;
	v6 =	vadd.f32 $-1.000000000e+00, v6  }
0xcb: {  	v4 =	vmul.f32 $-2.000000000e+00, v5  }
0xcc: {  	v3 =	vpop (erf);
	[tilespmem:s23+$0x9F00] =	vst v6;
	s23 =	smov.u32 s21;
	s21 =	smov.u32 s22;
	s22 =	smov.u32 s30  }
0xcd: {  	v0 =	vmul.f32 v1, v0;
	_ =	sdelay $0x1  }
0xce: {  	v0 =	vadd.f32 v0, v2;
	_ =	sdelay $0x1  }
0xcf: {  	v45 =	vmul.f32 $1.442695020e+00, v4;
	v0 =	vmul.f32 $-2.000000000e+00, v0  }
0xd0: {  	v46 =	vadd.f32 $1.000000000e+00, v3  }
0xd1: {  	(erf) = vpow2.f32 v45;
	v0 =	vmul.f32 $1.442695020e+00, v0  }
0xd2: {  	(erf) = vrcp.f32 v46  }
0xd3: {  	(erf) = vpow2.f32 v0;
	_ =	sdelay $0x3  }
0xd4: {  	v47 =	vpop (erf)  }
0xd5: {  	v48 =	vpop (erf)  }
0xd6: {  	v49 =	vpop (erf)  }
0xd7: {  	v50 =	vpop (erf)  }
0xd8: {  	v1 =	vadd.f32 $1.000000000e+00, v48;
	v51 =	vpop (erf)  }
0xd9: {  	v3 =	vadd.f32 $1.000000000e+00, v50;
	v5 =	vpop (erf)  }
0xda: {  	(erf) = vrcp.f32 v1;
	v52 =	vadd.f32 $1.000000000e+00, v5  }
0xdb: {  	(erf) = vrcp.f32 v3  }
0xdc: {  	(erf) = vrcp.f32 v52;
	_ =	sdelay $0x4  }
0xdd: {  	v0 =	vadd.f32 v47, v47  }
0xde: {  	v53 =	vadd.f32 v49, v49  }
0xdf: {  	v0 =	vadd.f32 $-1.000000000e+00, v0;
	v54 =	vadd.f32 v51, v51;
	v55 =	vpop (erf)  }
0xe0: {  	v1 =	vadd.f32 $-1.000000000e+00, v53;
	v3 =	vadd.f32 v55, v55;
	v56 =	vpop (erf)  }
0xe1: {  	[tilespmem:s23+$0x9F00] =	vst v0;
	v57 =	vadd.f32 $-1.000000000e+00, v54;
	v58 =	vadd.f32 v56, v56;
	v59 =	vpop (erf)  }
0xe2: {  	[tilespmem:s21+$0x9F00] =	vst v1;
	v60 =	vadd.f32 $-1.000000000e+00, v3;
	v61 =	vadd.f32 v59, v59  }
0xe3: {  	[tilespmem:s22+$0x9F00] =	vst v57;
	v62 =	vadd.f32 $-1.000000000e+00, v58  }
0xe4: {  	s20 =	sadd.s32 $0x1, s20;
	[tilespmem:s24+$0x9F00] =	vst v60;
	v63 =	vadd.f32 $-1.000000000e+00, v61  }
0xe5: {  	p0 =	sne.s32 s20, s10;
	[tilespmem:s25+$0x9F00] =	vst v62  }
.Ltmp4:
0xe6: {  	[tilespmem:s26+$0x9F00] =	vst v63;
	(pc) =	sbr.rel @p0 .LBB2_1-.Ltmp4, $4  }
0xe7: {  	[hbm4b:s9+s2] =	stream.linear.scatter [tilespmem:s19], [sflag:$0x2], $0x1000, $0x38;
	[tilespmem:$0xAF80] =	vst v63  }
0xe8: {  	_ =	swait.ge [sflag:s14], $0x1000  }
0xe9: {  	[sflag:s14] =	ssyncset.done $0x0  }
0xea: {  	[sflag:s14] =	ssyncadd.s32 $0xFFFFF000  }
0xeb: {  	_ =	sfence.sel $0x180000  }
0xec: {  	[bflag:$0x0] =	sbarrier.arrive $0xFFFF  }
0xed: {  	p0 =	sne.s32 s1, $0x0;
	_ =	strace $0x9000004D  }
0xee: {  	s0 =	sadd.s32 @!p0 $0x100000, s0;
	[bflag:$0x2] =	sbarrier.arrive $0xFFFF  }
0xef: {  	[sflag:s0] =	ssyncadd.tile.s32 @!p0 $0x1;
	_ =	shalt  }
.Lfunc_end2:
_tile_overlayer_lowered:
.L_overlay_start_2:
0xf0: {  	(tag) =	ssettag $0x2  }
0xf1: {  	s0 =	rddreg [dreg:$0x0];
	s2 =	stileid.u32  }
0xf2: {  	s1 =	rddreg [dreg:$0x1];
	p0 =	sne.s32 s2, $0x0  }
0xf3: {  	s3 =	rddreg [dreg:$0x2];
	[bflag:$0x3] =	sbarrier.arrive $0xFFFF;
	s2 =	simm.s32 @!p0 $0x1C02  }
0xf4: {  	[timem:s3], [sflag:s2] =	dma.local @!p0 [hbm:s0], s1  }
0xf5: {  	s0 =	simm.s32 @!p0 $0x2  }
0xf6: {  	_ =	swait.ge @!p0 [sflag:s0], s1  }
0xf7: {  	s1 =	ssub.s32 @!p0 $0x0, s1;
	[sflag:s0] =	ssyncset.done @!p0 $0x0  }
0xf8: {  	[sflag:s0] =	ssyncadd.s32 @!p0 s1  }
0xf9: {  	[bflag:$0x3] =	sbarrier.arrive $0xFFFF  }
0xfa: {  	_ =	shalt  }

// kernel: kernel.7.cloned.1.call-start
scs
__scs_entry_jumppad:
0x0: {  	(pc) =	sbr.rel $0x88, $3  }
0x1: {  	(tag) =	ssettag $0x0;
	lr =	simm.s32 $0x1  }
0x2: {  	[smem:$0x3F99] =	sst lr;
	_ =	strace $0xD0000000  }
0x3: {  	_ = 	snop  }
0x4: {  	_ = 	snop  }
0x5: {  	_ = 	snop  }
0x6: {  	_ = 	snop  }
0x7: {  	_ = 	snop  }
__scs_overlays_trampoline_lowered:
0x8: {  	[smem:$0x3FA8] =	sst s0  }
0x9: {  	[smem:$0x3FA9] =	sst s1  }
0xa: {  	[smem:$0x3FAA] =	sst s2  }
0xb: {  	[smem:$0x3FAB] =	sst s3  }
0xc: {  	[smem:$0x3FAC] =	sst s4  }
0xd: {  	[smem:$0x3FAD] =	sst s5  }
0xe: {  	[smem:$0x3FAE] =	sst s6  }
0xf: {  	[smem:$0x3FAF] =	sst s7  }
0x10: {  	[smem:$0x3FB0] =	sst s8  }
0x11: {  	[smem:$0x3FB1] =	sst s9;
	s0 =	simm.s32 @!p0 $0x0  }
0x12: {  	s1 =	sld [smem:$0x3F97];
	s0 =	simm.s32 @p0 $0x1  }
0x13: {  	[smem:$0x3FB2] =	sst s0;
	s0 =	simm.s32 @!p1 $0x0  }
0x14: {  	s2 =	sld [smem:$0x3F96];
	s0 =	simm.s32 @p1 $0x1  }
0x15: {  	[smem:$0x3FB3] =	sst s0;
	s0 =	simm.s32 @!p2 $0x0  }
0x16: {  	s3 =	sld [smem:$0x3FDB];
	s0 =	simm.s32 @p2 $0x1  }
0x17: {  	s4 =	simm.s32 $0x1BF5;
	[smem:$0x3FB5] =	sst s0  }
0x18: {  	s0 =	sld [smem:$0x3F98];
	_ =	swait.ge [sflag:s4], $0x0  }
0x19: {  	s7 =	sld [smem:$0x3F99]  }
0x1a: {  	s8 =	sadd.s32 $0xFFFFE003, lr  }
0x1b: {  	s9 =	sadd.s32 $0xFFFFFEF7, lr;
	s5 =	simm.s32 $0xFFFFFFFF;
	p2 =	slt.u32 s8, $0xFFFFF086  }
0x1c: {  	p1 =	slt.u32 s9, $0xF7A;
	s5 =	simm.s32 @!p2 $0x0  }
0x1d: {  	s5 =	simm.s32 @p1 $0x1;
	p0 =	seq.s32 s7, s2  }
0x1e: {  	s7 =	smul.u32 @!p0 $0xF7A, s2;
	p2 =	seq.s32 @!p0 s5, $0x0  }
0x1f: {  	s9 =	smul.u32 $0xF7A, s1;
	s8 =	simm.s32 @!p0 $0x1BF5;
	p2 =	por !p2, p0  }
0x20: {  	[sflag:s8] =	ssyncset.s32 @!p0 $0xFFFFF086;
	s6 =	sadd.s32 @!p0 s3, s7;
	s7 =	simm.s32 @!p0 $0x108  }
0x21: {  	s3 =	sadd.s32 s3, s9;
	s6 =	sadd.s32 @!p0 $0x88, s6;
	s7 =	simm.s32 @p2 $0x1082  }
0x22: {  	[simem:s7], [sflag:s8] =	dma.local @!p0 [hbm:s6], $0xF7A  }
0x23: {  	s9 =	sor.u32 $0xD0000000, s2;
	s6 =	simm.s32 $0x108;
	_ =	swait.ge @!p0 [sflag:s8], $0x0  }
0x24: {  	s3 =	sadd.s32 $0x88, s3;
	s6 =	simm.s32 @!p1 $0x1082;
	[sflag:s4] =	ssyncset.s32 $0xFFFFF086  }
0x25: {  	[simem:s6], [sflag:s4] =	dma.local [hbm:s3], $0xF7A  }
0x26: {  	[smem:$0x3F99] =	sst s1;
	(tag) =	ssettag s2;
	_ =	strace s9  }
0x27: {  	s1 =	sld [smem:$0x3FA9]  }
0x28: {  	s2 =	sld [smem:$0x3FAA]  }
0x29: {  	s4 =	sld [smem:$0x3FAC]  }
0x2a: {  	p0 =	seq.s32 s5, $0x0;
	s5 =	sld [smem:$0x3FAD]  }
0x2b: {  	s6 =	sld [smem:$0x3FAE]  }
0x2c: {  	s7 =	sld [smem:$0x3FAF]  }
0x2d: {  	s3 =	simm.s32 $0x108;
	s8 =	sld [smem:$0x3FB0]  }
0x2e: {  	s3 =	simm.s32 @!p0 $0x1082;
	s9 =	sld [smem:$0x3FB1]  }
0x2f: {  	lr =	sadd.s32 s0, s3;
	s0 =	sld [smem:$0x3FA8]  }
0x30: {  	s3 =	sld [smem:$0x3FAB]  }
0x31: {  	[smem:$0x3FB4] =	sst s10  }
0x32: {  	s10 =	sld [smem:$0x3FB2];
	_ =	sdelay $0x3  }
0x33: {  	p0 =	seq.s32 s10, $0x1;
	s10 =	sld [smem:$0x3FB4];
	_ =	sdelay $0x3  }
0x34: {  	[smem:$0x3FB4] =	sst s10  }
0x35: {  	s10 =	sld [smem:$0x3FB3];
	_ =	sdelay $0x3  }
0x36: {  	p1 =	seq.s32 s10, $0x1;
	s10 =	sld [smem:$0x3FB4];
	_ =	sdelay $0x3  }
0x37: {  	[smem:$0x3FB4] =	sst s10  }
0x38: {  	s10 =	sld [smem:$0x3FB5]  }
0x39: {  	_ = 	snop;
	(pc) =	sbr.ind lr, $3  }
0x3a: {  	_ = 	snop  }
0x3b: {  	_ = 	snop  }
0x3c: {  	p2 =	seq.s32 s10, $0x1;
	s10 =	sld [smem:$0x3FB4]  }
0x3d: {  	_ =	shalt  }
0x3e: {  	_ =	shalt  }
0x3f: {  	_ =	shalt  }
0x40: {  	_ =	shalt  }
0x41: {  	_ =	shalt  }
0x42: {  	_ =	shalt  }
0x43: {  	_ =	shalt  }
0x44: {  	_ =	shalt  }
0x45: {  	_ =	shalt  }
0x46: {  	_ =	shalt  }
0x47: {  	_ =	shalt  }
0x48: {  	_ =	shalt  }
0x49: {  	_ =	shalt  }
0x4a: {  	_ =	shalt  }
0x4b: {  	_ =	shalt  }
0x4c: {  	_ =	shalt  }
0x4d: {  	_ =	shalt  }
0x4e: {  	_ =	shalt  }
0x4f: {  	_ =	shalt  }
0x50: {  	_ =	shalt  }
0x51: {  	_ =	shalt  }
0x52: {  	_ =	shalt  }
0x53: {  	_ =	shalt  }
0x54: {  	_ =	shalt  }
0x55: {  	_ =	shalt  }
0x56: {  	_ =	shalt  }
0x57: {  	_ =	shalt  }
0x58: {  	_ =	shalt  }
0x59: {  	_ =	shalt  }
0x5a: {  	_ =	shalt  }
0x5b: {  	_ =	shalt  }
0x5c: {  	_ =	shalt  }
0x5d: {  	_ =	shalt  }
0x5e: {  	_ =	shalt  }
0x5f: {  	_ =	shalt  }
0x60: {  	_ =	shalt  }
0x61: {  	_ =	shalt  }
0x62: {  	_ =	shalt  }
0x63: {  	_ =	shalt  }
0x64: {  	_ =	shalt  }
0x65: {  	_ =	shalt  }
0x66: {  	_ =	shalt  }
0x67: {  	_ =	shalt  }
0x68: {  	_ =	shalt  }
0x69: {  	_ =	shalt  }
0x6a: {  	_ =	shalt  }
0x6b: {  	_ =	shalt  }
0x6c: {  	_ =	shalt  }
0x6d: {  	_ =	shalt  }
0x6e: {  	_ =	shalt  }
0x6f: {  	_ =	shalt  }
0x70: {  	_ =	shalt  }
0x71: {  	_ =	shalt  }
0x72: {  	_ =	shalt  }
0x73: {  	_ =	shalt  }
0x74: {  	_ =	shalt  }
0x75: {  	_ =	shalt  }
0x76: {  	_ =	shalt  }
0x77: {  	_ =	shalt  }
0x78: {  	_ =	shalt  }
0x79: {  	_ =	shalt  }
0x7a: {  	_ =	shalt  }
0x7b: {  	_ =	shalt  }
0x7c: {  	_ =	shalt  }
0x7d: {  	_ =	shalt  }
0x7e: {  	_ =	shalt  }
0x7f: {  	_ =	shalt  }
0x80: {  	_ =	shalt  }
0x81: {  	_ =	shalt  }
0x82: {  	_ =	shalt  }
0x83: {  	_ =	shalt  }
0x84: {  	_ =	shalt  }
0x85: {  	_ =	shalt  }
0x86: {  	_ =	shalt  }
0x87: {  	_ =	shalt  }
.Lfunc_end0:
.L_simem_size_0:
called_computation_lowered:
.L_overlay_start_0:
0x88: {  	s2 =	sld [smem:$0x3FD9]  }
0x89: {  	s3 =	sld [smem:$0x3FFE];
	_ =	sdelay $0x1  }
0x8a: {  	s1 =	srdreg.scid  }
0x8b: {  	s0 =	sand.u32 $0x1, s1  }
0x8c: {  	s16 =	sshll.u32 s0, $0xA;
	s2 =	sadd.s32 s3, s2  }
0x8d: {  	s2 =	sadd.s32 s2, s16  }
0x8e: {  	[smem:$0x3FC0] =	sst s2  }
0x8f: {  	_ = 	snop  }
0x90: {  	(tm) =	ssettm $0x1  }
0x91: {  	s17 =	sld [smem:$0x3FFB];
	_ =	sdelay $0x3  }
0x92: {  	_ =	strace s17  }
0x93: {  	s2 =	sld [smem:$0x3FFC];
	_ =	sdelay $0x3  }
0x94: {  	_ =	strace s2  }
0x95: {  	s2 =	sld [smem:$0x3FFD];
	_ =	sdelay $0x3  }
0x96: {  	_ =	strace s2  }
0x97: {  	_ =	strace $0x8FFFFFFF  }
0x98: {  	s18 =	sld [smem:$0x3FDB];
	_ =	sdelay $0x1  }
0x99: {  	s19 =	simm.s32 $_scs_section_size  }
0x9a: {  	s4 =	simm.s32 $_size__tile_overlayer_lowered;
	s5 =	simm.s32 $_tile_overlayer_lowered  }
0x9b: {  	s22 =	simm.s32 $0x1BFF;
	s21 =	sshll.u32 s5, $0x1;
	s2 =	sadd.s32 s19, s18  }
0x9c: {  	s6 =	simm.s32 $0x0;
	s20 =	sshll.u32 s4, $0x1;
	s4 =	sadd.s32 s21, s2  }
0x9d: {  	[timem:s6], [sflag:s22] =	dma.local [hbm:s4], s20  }
0x9e: {  	_ =	swait.ge [sflag:s22], s20  }
0x9f: {  	s3 =	ssub.s32 $0x0, s20;
	[sflag:s22] =	ssyncset.done $0x0  }
0xa0: {  	[sflag:s22] =	ssyncadd.s32 s3;
	_ =	sdelay $0x1  }
0xa1: {  	s23 =	simm.s32 $0x1B8B  }
0xa2: {  	_ =	swait.ge [sflag:s23], $0x1  }
0xa3: {  	[sflag:s23] =	ssyncset.done $0x0  }
0xa4: {  	s25 =	simm.s32 $0x1B8E;
	s24 =	sld [smem:$0x3FFE];
	[sflag:s23] =	ssyncadd.s32 $0xFFFFFFFF  }
0xa5: {  	s26 =	simm.s32 $execute0_lowered;
	[smem:$0x3FD2] =	sst s25  }
0xa6: {  	s4 =	sshll.u32 s26, $0x1;
	_ =	strace $0x80000046;
	[dreg:$0x1] =	wrdreg $0xFFFFFFFF  }
0xa7: {  	s28 =	simm.s32 $_size_execute0_lowered;
	s2 =	sadd.s32 s2, s4;
	[dreg:$0x0] =	wrdreg $0x0  }
0xa8: {  	s4 =	sshll.u32 s28, $0x1;
	[dreg:$0x2] =	wrdreg s2  }
0xa9: {  	[dreg:$0x3] =	wrdreg s4  }
0xaa: {  	[dreg:$0x4] =	wrdreg $0xC0  }
0xab: {  	_ =	task [dreg:s6], $0x5FFFF  }
0xac: {  	[dreg:$0x1] =	wrdreg $0xFFFFFFFF  }
0xad: {  	[dreg:$0x0] =	wrdreg $0x60  }
0xae: {  	[dreg:$0x2] =	wrdreg s24  }
0xaf: {  	[dreg:$0x3] =	wrdreg $0x9  }
0xb0: {  	_ =	task.clear_ibuf [dreg:s6], $0x4FFFF;
	_ =	strace $0x90000046  }
0xb1: {  	s29 =	simm.s32 $0x9;
	_ =	strace $0x80000048  }
0xb2: {  	_ =	swait.ge [sflag:s29], $0x1  }
0xb3: {  	[sflag:s29] =	ssyncadd.s32 $0xFFFFFFFF  }
0xb4: {  	_ =	strace $0x90000048  }
0xb5: {  	_ =	sfence  }
0xb6: {  	s30 =	sld [smem:$0x0];
	_ =	sdelay $0x2  }
0xb7: {  	s31 =	sshll.u32 s1, $0xD;
	s1 =	sshrl.u32 s1, $0x2  }
0xb8: {  	s3 =	sand.u32 $0x4000, s31;
	s1 =	sadd.s32 s1, s30  }
0xb9: {  	s0 =	sor.u32 s3, s0;
	s1 =	sshll.u32 s1, $0x11  }
0xba: {  	s0 =	sor.u32 s1, s0  }
0xbb: {  	s0 =	sadd.s32 $0x8F2B, s0  }
0xbc: {  	[sflag:s0] =	ssyncadd.remote.s32 $0x1  }
0xbd: {  	_ =	sfence.sel $0xFFFF  }
0xbe: {  	[dreg:$0x0] =	wrdreg $0xFFFFFFFF;
	(pc) =	sbr.abs _section_cstart, $3  }
0xbf: {  	[dreg:$0x1] =	wrdreg $0xFFFFFFFF  }
0xc0: {  	_ =	task.clear_ibuf [dreg:s6], $0x2FFFF;
	_ =	strace $0x9FFFFFFF  }
0xc1: {  	(tm) =	ssettm $0x7FFFFFFF  }
tec
execute0_lowered:
.L_overlay_start_1:
0x0: {  	(tag) =	ssettag $0x1  }
0x1: {  	s4 =	rddreg [dreg:$0x0]  }
0x2: {  	s1 =	srdreg.scid;
	s0 =	rddreg [dreg:$0x1]  }
0x3: {  	s2 =	simm.s32 $0x0;
	s9 =	simm.s32 $0x0;
	s3 =	sand.u32 $0x1, s1  }
0x4: {  	s1 =	stileid.u32;
	[smem:$0x7FF] =	sst s2;
	s5 =	sshll.u32 s3, $0x4  }
0x5: {  	s7 =	ssub.s32 $0x2, s3;
	_ =	strace $0x80000047;
	s5 =	sor.u32 s1, s5  }
0x6: {  	s8 =	sshrl.u32 s7, $0x1;
	s6 =	sshll.u32 s5, $0xB;
	s5 =	smul.u32 $0x500, s5  }
0x7: {  	s3 =	sadd.s32 $0x12000, s4;
	s7 =	ssub.s32 s7, s8;
	s6 =	sadd.s32 s6, s4  }
0x8: {  	s8 =	simm.s32 $0x4000;
	s5 =	sadd.s32 s5, s4;
	s4 =	sadd.s32 $0x2000, s6  }
0x9: {  	v0 =	vimm.f32 $1.000000000e+00;
	s6 =	smax.u32 s7, $0x1;
	s7 =	simm.s32 $0x1;
	s5 =	sadd.s32 $0x12800, s5  }
.LBB2_1:
0xa: {  	[tilespmem:s2], [sflag:$0x1] =	stream.linear.gather [hbm4b:s4+s2], $0x3E80, $0x38;
	[tilespmem:$0x6800] =	vst v63  }
0xb: {  	_ =	swait.ge [sflag:s7], $0x3E80  }
0xc: {  	[sflag:s7] =	ssyncset.done $0x0  }
0xd: {  	[sflag:s7] =	ssyncadd.s32 $0xFFFFC180  }
0xe: {  	[tilespmem:s8], [sflag:$0x1] =	stream.linear.gather [hbm4b:s3+s2], $0x2800, $0x38;
	[tilespmem:$0x6800] =	vst v63  }
0xf: {  	_ =	swait.ge [sflag:s7], $0x2800  }
0x10: {  	[sflag:s7] =	ssyncset.done $0x0  }
0x11: {  	s10 =	simm.s32 $0x0;
	[sflag:s7] =	ssyncadd.s32 $0xFFFFD800  }
.LBB2_2:
0x12: {  	s11 =	sshra.s32 s10, $0x2  }
0x13: {  	v1 =	vld [tilespmem:s11+$0x0];
	_ =	sdelay $0x7  }
0x14: {  	[tilespmem:v1+s8+$0x0] =	vst.idx.add.f32.msk $0xffff, v0  }
0x15: {  	v1 =	vld [tilespmem:s11+$0x10];
	_ =	sdelay $0x7  }
0x16: {  	[tilespmem:v1+s8+$0x0] =	vst.idx.add.f32.msk $0xffff, v0  }
0x17: {  	v1 =	vld [tilespmem:s11+$0x20];
	_ =	sdelay $0x7  }
0x18: {  	[tilespmem:v1+s8+$0x0] =	vst.idx.add.f32.msk $0xffff, v0  }
0x19: {  	v1 =	vld [tilespmem:s11+$0x30];
	_ =	sdelay $0x7  }
0x1a: {  	[tilespmem:v1+s8+$0x0] =	vst.idx.add.f32.msk $0xffff, v0  }
0x1b: {  	v1 =	vld [tilespmem:s11+$0x40];
	_ =	sdelay $0x2  }
0x1c: {  	p0 =	sne.s32 s10, $0xF800  }
.Ltmp0:
0x1d: {  	_ = 	snop;
	(pc) =	sbr.rel @p0 .LBB2_2-.Ltmp0, $2  }
0x1e: {  	_ =	sdelay $0x2  }
0x1f: {  	s10 =	sadd.s32 $0x200, s10;
	[tilespmem:v1+s8+$0x0] =	vst.idx.add.f32.msk $0xffff, v0  }
0x20: {  	s9 =	sadd.s32 $0x1, s9  }
0x21: {  	p0 =	sne.s32 s9, s6  }
.Ltmp1:
0x22: {  	_ = 	snop;
	(pc) =	sbr.rel @p0 .LBB2_1-.Ltmp1, $4  }
0x23: {  	[hbm4b:s5+s2] =	stream.linear.scatter [tilespmem:s8], [sflag:$0x1], $0x2800, $0x38;
	[tilespmem:$0x6800] =	vst v63  }
0x24: {  	_ =	swait.ge [sflag:s7], $0x2800  }
0x25: {  	[sflag:s7] =	ssyncset.done $0x0  }
0x26: {  	[sflag:s7] =	ssyncadd.s32 $0xFFFFD800  }
0x27: {  	_ =	sfence.sel $0x180000  }
0x28: {  	[bflag:$0x0] =	sbarrier.arrive $0xFFFF  }
0x29: {  	p0 =	sne.s32 s1, $0x0;
	_ =	strace $0x90000047  }
0x2a: {  	s0 =	sadd.s32 @!p0 $0x100000, s0;
	[bflag:$0x2] =	sbarrier.arrive $0xFFFF  }
0x2b: {  	[sflag:s0] =	ssyncadd.tile.s32 @!p0 $0x1;
	_ =	shalt  }
.Lfunc_end2:
_tile_overlayer_lowered:
.L_overlay_start_2:
0x2c: {  	(tag) =	ssettag $0x2  }
0x2d: {  	s0 =	rddreg [dreg:$0x0];
	s2 =	stileid.u32  }
0x2e: {  	s1 =	rddreg [dreg:$0x1];
	p0 =	sne.s32 s2, $0x0  }
0x2f: {  	s3 =	rddreg [dreg:$0x2];
	[bflag:$0x3] =	sbarrier.arrive $0xFFFF;
	s2 =	simm.s32 @!p0 $0x1C01  }
0x30: {  	[timem:s3], [sflag:s2] =	dma.local @!p0 [hbm:s0], s1  }
0x31: {  	s0 =	simm.s32 @!p0 $0x1  }
0x32: {  	_ =	swait.ge @!p0 [sflag:s0], s1  }
0x33: {  	s1 =	ssub.s32 @!p0 $0x0, s1;
	[sflag:s0] =	ssyncset.done @!p0 $0x0  }
0x34: {  	[sflag:s0] =	ssyncadd.s32 @!p0 s1  }
0x35: {  	[bflag:$0x3] =	sbarrier.arrive $0xFFFF  }
0x36: {  	_ =	shalt  }

</sc_bundles>
